<compile_context>
chip_gen: v7x
topology: tpu7x:2x2x1
jax: 0.10.2.dev20260603
libtpu: 0.0.44.dev20260713+nightly
codegen_flags: <defaults>
</compile_context>

<pallas_src>
import functools

import jax
import jax.numpy as jnp
from jax import lax
from jax.experimental import pallas as pl
from jax.experimental.pallas import tpu as pltpu
from jax.experimental.pallas import tpu_sc as plsc

N = 10000
NP = 10240
E = 160000
D = 256
NTILES = 32
CPT = D // NTILES
BN = 512
CH = 1536
E_PAD = 165888
EPW = E_PAD // NTILES

_mesh = plsc.VectorSubcoreMesh(
    core_axis_name="c", subcore_axis_name="s", num_cores=2, num_subcores=16
)

_DNUMS = lax.GatherDimensionNumbers(
    offset_dims=(), collapsed_slice_dims=(0,), start_index_map=(0,)
)


def _wid():
    return lax.axis_index("s") * 2 + lax.axis_index("c")


@functools.partial(
    pl.kernel,
    out_type=jax.ShapeDtypeStruct((NTILES, NP), jnp.float32),
    mesh=_mesh,
    compiler_params=pltpu.CompilerParams(needs_layout_passes=False),
    scratch_types=[
        pltpu.VMEM((EPW,), jnp.int32),
        pltpu.VMEM((EPW,), jnp.float32),
        pltpu.VMEM((NP,), jnp.float32),
    ],
)
def _deg_kernel(col_hbm, ew_hbm, out_hbm, col_v, ew_v, acc_v):
    w = _wid()
    base = w * EPW
    pltpu.sync_copy(col_hbm.at[pl.ds(base, EPW)], col_v)
    pltpu.sync_copy(ew_hbm.at[pl.ds(base, EPW)], ew_v)

    @plsc.parallel_loop(0, NP // 16, unroll=4)
    def zero_body(i):
        acc_v[pl.ds(i * 16, 16)] = jnp.zeros((16,), jnp.float32)

    @plsc.parallel_loop(0, EPW // 16, unroll=4)
    def ebody(j):
        c16 = col_v[pl.ds(j * 16, 16)]
        w16 = ew_v[pl.ds(j * 16, 16)]
        plsc.addupdate_scatter(acc_v, [c16], w16)
    pltpu.sync_copy(acc_v, out_hbm.at[w])


NCHUNK = E_PAD // CH


@functools.partial(
    pl.kernel,
    out_type=jax.ShapeDtypeStruct((NP, D), jnp.float32),
    mesh=_mesh,
    compiler_params=pltpu.CompilerParams(
        needs_layout_passes=False, use_tc_tiling_on_sc=False
    ),
    scratch_types=[
        pltpu.VMEM((2, CH), jnp.int32),
        pltpu.VMEM((2, CH), jnp.int32),
        pltpu.VMEM((2, CH), jnp.float32),
        pltpu.VMEM((2, CH), jnp.int32),
        pltpu.VMEM((2, CH, CPT), jnp.float32),
        pltpu.VMEM((NP, CPT), jnp.float32),
        pltpu.SemaphoreType.DMA,
        pltpu.SemaphoreType.DMA,
        pltpu.SemaphoreType.DMA,
        pltpu.SemaphoreType.DMA,
    ],
)
def _edge_kernel(yf_hbm, row_hbm, col_hbm, ew_hbm, zero_hbm, out_hbm,
                 row_v, col_v, ew_v, idx_v, gat_v, acc_v, sr0, sr1, sg0, sg1):
    w = _wid()
    srs = (sr0, sr1)
    sgs = (sg0, sg1)
    iota16 = lax.iota(jnp.int32, 16)

    def rce_copies(ci, b):
        base = ci * CH
        return (
            pltpu.make_async_copy(row_hbm.at[pl.ds(base, CH)], row_v.at[b], srs[b]),
            pltpu.make_async_copy(col_hbm.at[pl.ds(base, CH)], col_v.at[b], srs[b]),
            pltpu.make_async_copy(ew_hbm.at[pl.ds(base, CH)], ew_v.at[b], srs[b]),
        )

    def start_rce(ci, b):
        for c in rce_copies(ci, b):
            c.start()

    def wait_rce(b):
        for c in rce_copies(0, b):
            c.wait()

    def make_idx(b):
        @plsc.parallel_loop(0, CH // 16, unroll=4)
        def ibody(j):
            r16 = row_v[b, pl.ds(j * 16, 16)]
            idx_v[b, pl.ds(j * 16, 16)] = r16 * NTILES + w

    def gat_copy(b):
        return pltpu.make_async_copy(yf_hbm.at[idx_v.at[b]], gat_v.at[b], sgs[b])

    colpat = iota16 % CPT
    pairpat = iota16 // CPT

    def _vperm(vec, pat):
        return lax.gather(
            vec, pat[:, None], _DNUMS, (1,),
            mode=lax.GatherScatterMode.PROMISE_IN_BOUNDS)

    def compute(b):
        @plsc.parallel_loop(0, CH // 16, unroll=1)
        def cbody(j):
            c16 = col_v[b, pl.ds(j * 16, 16)]
            w16 = ew_v[b, pl.ds(j * 16, 16)]
            for k in range(8):
                pat = pairpat + (2 * k)
                data = plsc.load_gather(gat_v.at[b], [j * 16 + pat, colpat])
                vals = data * _vperm(w16, pat)
                dx = _vperm(c16, pat)
                plsc.addupdate_scatter(acc_v, [dx, colpat], vals)

    zc = pltpu.make_async_copy(zero_hbm, acc_v, sg0)
    zc.start()
    start_rce(0, 0)
    start_rce(1, 1)
    wait_rce(0)
    make_idx(0)
    zc.wait()
    gat_copy(0).start()

    def outer(g, _):
        for b in range(2):
            nb = 1 - b
            ci = g * 2 + b

            @pl.when(ci + 1 < NCHUNK)
            def _():
                wait_rce(nb)
                make_idx(nb)
                gat_copy(nb).start()

            gat_copy(b).wait()
            compute(b)

            @pl.when(ci + 2 < NCHUNK)
            def _():
                start_rce(ci + 2, b)

        return 0

    lax.fori_loop(0, NCHUNK // 2, outer, 0)
    pltpu.sync_copy(acc_v, out_hbm.at[:, pl.ds(w * CPT, CPT)])


def _mm_body(x_ref, w_ref, o_ref):
    o_ref[...] = jnp.dot(x_ref[...], w_ref[...], preferred_element_type=jnp.float32)


def _scale_body(p_ref, xl_ref, y_ref):
    deg = 1.0 + jnp.sum(p_ref[...], axis=0)
    dinv = jnp.where(deg > 0.0, lax.rsqrt(deg), 0.0)
    y_ref[...] = xl_ref[...] * dinv[:, None]


def _final_body(p_ref, s_ref, y_ref, b_ref, o_ref):
    deg = 1.0 + jnp.sum(p_ref[...], axis=0)
    dinv = jnp.where(deg > 0.0, lax.rsqrt(deg), 0.0)
    o_ref[...] = jnp.maximum(dinv[:, None] * (s_ref[...] + y_ref[...]) + b_ref[...], 0.0)


@jax.jit
def _impl(x, edge_index, edge_weight, W, b):
    row = edge_index[0].astype(jnp.int32)
    col = edge_index[1].astype(jnp.int32)
    pad = E_PAD - E
    rowp = jnp.concatenate([row, jnp.zeros((pad,), jnp.int32)])
    colp = jnp.concatenate([col, jnp.zeros((pad,), jnp.int32)])
    ewp = jnp.concatenate([edge_weight.astype(jnp.float32),
                           jnp.zeros((pad,), jnp.float32)])
    xp = jnp.concatenate([x.astype(jnp.float32),
                          jnp.zeros((NP - N, x.shape[1]), jnp.float32)])

    xlin = pl.pallas_call(
        _mm_body,
        grid=(NP // BN,),
        in_specs=[
            pl.BlockSpec((BN, D), lambda i: (i, 0)),
            pl.BlockSpec((D, D), lambda i: (0, 0)),
        ],
        out_specs=pl.BlockSpec((BN, D), lambda i: (i, 0)),
        out_shape=jax.ShapeDtypeStruct((NP, D), jnp.float32),
    )(xp, W)

    partials = _deg_kernel(colp, ewp)

    y = pl.pallas_call(
        _scale_body,
        grid=(NP // BN,),
        in_specs=[
            pl.BlockSpec((NTILES, BN), lambda i: (0, i)),
            pl.BlockSpec((BN, D), lambda i: (i, 0)),
        ],
        out_specs=pl.BlockSpec((BN, D), lambda i: (i, 0)),
        out_shape=jax.ShapeDtypeStruct((NP, D), jnp.float32),
    )(partials, xlin)

    yf = y.reshape(NP * NTILES, CPT)
    zero = jnp.zeros((NP, CPT), jnp.float32)
    s = _edge_kernel(yf, rowp, colp, ewp, zero)

    b2 = b.reshape(1, D).astype(jnp.float32)
    out = pl.pallas_call(
        _final_body,
        grid=(NP // BN,),
        in_specs=[
            pl.BlockSpec((NTILES, BN), lambda i: (0, i)),
            pl.BlockSpec((BN, D), lambda i: (i, 0)),
            pl.BlockSpec((BN, D), lambda i: (i, 0)),
            pl.BlockSpec((1, D), lambda i: (0, 0)),
        ],
        out_specs=pl.BlockSpec((BN, D), lambda i: (i, 0)),
        out_shape=jax.ShapeDtypeStruct((NP, D), jnp.float32),
    )(partials, s, y, b2)
    return out[:N]


def kernel(x, edge_index, edge_weight, W, b):
    return _impl(x, edge_index, edge_weight, W, b)

# --- scband reference (transcript-rebuilt; emitter-appended) ---
"""Pipeline reference for scband-gcnconv-module-1769526526160 (READ-ONLY COPY).

The authoritative reference and input builder live on the scoring server;
editing this copy changes nothing except your own understanding.
"""

import jax, jax.numpy as jnp
import numpy as np

N = 10000
E = 160000
D_IN = 256
D_OUT = 256

def setup_inputs(seed: int = 0) -> dict:
    key = jax.random.key(seed)
    k1, k2, k3, k4 = jax.random.split(key, 4)
    x = jax.random.normal(k1, (N, D_IN), dtype=jnp.float32)
    edge_index = jax.random.randint(k2, (2, E), 0, N)
    edge_weight = jax.random.uniform(k3, (E,), dtype=jnp.float32)
    W = jax.random.normal(k4, (D_IN, D_OUT), dtype=jnp.float32) * (1.0 / np.sqrt(D_IN))
    b = jnp.zeros((D_OUT,), dtype=jnp.float32)
    return {"x": x, "edge_index": edge_index, "edge_weight": edge_weight, "W": W, "b": b}

def _gcn_forward(x, edge_weight, W, b, edge_index):
    # PyG GCNConv, improved=False: add self-loops with weight 1.0, symmetric norm
    row = edge_index[0]
    col = edge_index[1]
    loop = jnp.arange(N, dtype=edge_index.dtype)
    row = jnp.concatenate([row, loop])
    col = jnp.concatenate([col, loop])
    fill_value = 1.0  # improved=False (2.0 if improved)
    ew = jnp.concatenate([edge_weight, jnp.full((N,), fill_value, dtype=edge_weight.dtype)])
    deg = jax.ops.segment_sum(ew, col, num_segments=N)
    deg_inv_sqrt = jnp.where(deg > 0, jax.lax.rsqrt(deg), 0.0)
    norm = deg_inv_sqrt[row] * ew * deg_inv_sqrt[col]
    x_lin = x @ W
    msg = norm[:, None] * x_lin[row]
    out = jnp.zeros((N, D_OUT), dtype=x.dtype).at[col].add(msg)
    out = out + b
    # activation='relu'
    return jax.nn.relu(out)

def reference(x, edge_index, edge_weight, W, b):
    return _gcn_forward(x, edge_weight, W, b, edge_index)

if __name__ == "__main__":
    import jax
    _d = setup_inputs()
    print(jax.jit(kernel)(*tuple(_d.values())))

</pallas_src>

<mosaic_0001>
#map = affine_map<(d0, d1) -> (0)>
#map1 = affine_map<(d0, d1) -> (0, 0)>
module attributes {stable_mosaic.version = 14 : i64} {
  func.func @_deg_kernel(%arg0: i32, %arg1: i32, %arg2: memref<165888xi32, #tpu.memory_space<hbm>>, %arg3: memref<165888xf32, #tpu.memory_space<hbm>>, %arg4: memref<32x10240xf32, #tpu.memory_space<hbm>>, %arg5: memref<5184xi32, #tpu.memory_space<vmem>>, %arg6: memref<5184xf32, #tpu.memory_space<vmem>>, %arg7: memref<10240xf32, #tpu.memory_space<vmem>>) attributes {dimension_semantics = [#tpu.dimension_semantics<core_parallel>, #tpu.dimension_semantics<subcore_parallel>], iteration_bounds = array<i64: 2, 16>, scalar_prefetch = 0 : i64, scratch_operands = 3 : i64, tpu.core_type = #tpu.core_type<sc_vector_subcore>, window_params = [{transform_indices = #map}, {transform_indices = #map}, {transform_indices = #map1}]} {
    %mul3A = arith.constant 2 : i32
    %mul3A_0 = arith.muli %arg1, %mul3A : i32
    %add3A = arith.addi %mul3A_0, %arg0 : i32
    %mul3A_1 = arith.constant 5184 : i32
    %mul3A_2 = arith.muli %add3A, %mul3A_1 : i32
    "tpu.region"() ({
      %run_scoped3A = tpu.sem_alloc : memref<!tpu.dma_semaphore, #tpu.memory_space<semaphore_mem>>
      %dma_start3A = tpu.memref_slice %arg2[%mul3A_2] : memref<165888xi32, #tpu.memory_space<hbm>> -> memref<5184xi32, #tpu.memory_space<hbm>>
      %dma_start3A_8 = tpu.memref_slice %arg2[%mul3A_2] : memref<165888xi32, #tpu.memory_space<hbm>> -> memref<5184xi32, #tpu.memory_space<hbm>>
      tpu.enqueue_dma source(%dma_start3A_8 : memref<5184xi32, #tpu.memory_space<hbm>>) target(%arg5 : memref<5184xi32, #tpu.memory_space<vmem>>) target_semaphore(%run_scoped3A : memref<!tpu.dma_semaphore, #tpu.memory_space<semaphore_mem>>)
      %dma_wait3A = tpu.memref_slice %arg2[%mul3A_2] : memref<165888xi32, #tpu.memory_space<hbm>> -> memref<5184xi32, #tpu.memory_space<hbm>>
      %dma_wait3A_9 = tpu.memref_slice %arg2[%mul3A_2] : memref<165888xi32, #tpu.memory_space<hbm>> -> memref<5184xi32, #tpu.memory_space<hbm>>
      tpu.wait_dma2 semaphore(%run_scoped3A : memref<!tpu.dma_semaphore, #tpu.memory_space<semaphore_mem>>) src(%dma_wait3A_9 : memref<5184xi32, #tpu.memory_space<hbm>>) dst(%arg5 : memref<5184xi32, #tpu.memory_space<vmem>>)
      tpu.yield
    }) : () -> ()
    "tpu.region"() ({
      %run_scoped3A = tpu.sem_alloc : memref<!tpu.dma_semaphore, #tpu.memory_space<semaphore_mem>>
      %dma_start3A = tpu.memref_slice %arg3[%mul3A_2] : memref<165888xf32, #tpu.memory_space<hbm>> -> memref<5184xf32, #tpu.memory_space<hbm>>
      %dma_start3A_8 = tpu.memref_slice %arg3[%mul3A_2] : memref<165888xf32, #tpu.memory_space<hbm>> -> memref<5184xf32, #tpu.memory_space<hbm>>
      tpu.enqueue_dma source(%dma_start3A_8 : memref<5184xf32, #tpu.memory_space<hbm>>) target(%arg6 : memref<5184xf32, #tpu.memory_space<vmem>>) target_semaphore(%run_scoped3A : memref<!tpu.dma_semaphore, #tpu.memory_space<semaphore_mem>>)
      %dma_wait3A = tpu.memref_slice %arg3[%mul3A_2] : memref<165888xf32, #tpu.memory_space<hbm>> -> memref<5184xf32, #tpu.memory_space<hbm>>
      %dma_wait3A_9 = tpu.memref_slice %arg3[%mul3A_2] : memref<165888xf32, #tpu.memory_space<hbm>> -> memref<5184xf32, #tpu.memory_space<hbm>>
      tpu.wait_dma2 semaphore(%run_scoped3A : memref<!tpu.dma_semaphore, #tpu.memory_space<semaphore_mem>>) src(%dma_wait3A_9 : memref<5184xf32, #tpu.memory_space<hbm>>) dst(%arg6 : memref<5184xf32, #tpu.memory_space<vmem>>)
      tpu.yield
    }) : () -> ()
    %parallel_loop3A = arith.constant 0 : i32
    %parallel_loop3A_3 = arith.constant 640 : i32
    %parallel_loop3A_4 = arith.constant 1 : i32
    scf.for %parallel_loop3A_8 = %parallel_loop3A to %parallel_loop3A_3 step %parallel_loop3A_4  : i32 {
      %parallel_loop3A_9 = arith.constant 0.000000e+00 : f32
      %parallel_loop3A_10 = vector.broadcast %parallel_loop3A_9 : f32 to vector<16xf32>
      %parallel_loop3A_11 = arith.constant 16 : i32
      %parallel_loop3A_12 = arith.muli %parallel_loop3A_8, %parallel_loop3A_11 : i32
      %parallel_loop3A_13 = arith.index_cast %parallel_loop3A_12 : i32 to index
      %parallel_loop3A_14 = tpu.vector_load %arg7[%parallel_loop3A_13] {strides = array<i32>} : memref<10240xf32, #tpu.memory_space<vmem>>, vector<16xf32>,
      tpu.vector_store %arg7[%parallel_loop3A_13], %parallel_loop3A_10 {strides = array<i32>} : memref<10240xf32, #tpu.memory_space<vmem>>, vector<16xf32>,
    } {sc.loop_unroll_factor = 4 : i64, sc.parallel_access}
    %parallel_loop3A_5 = arith.constant 0 : i32
    %parallel_loop3A_6 = arith.constant 324 : i32
    %parallel_loop3A_7 = arith.constant 1 : i32
    scf.for %parallel_loop3A_8 = %parallel_loop3A_5 to %parallel_loop3A_6 step %parallel_loop3A_7  : i32 {
      %parallel_loop3A_9 = arith.constant 16 : i32
      %parallel_loop3A_10 = arith.muli %parallel_loop3A_8, %parallel_loop3A_9 : i32
      %parallel_loop3A_11 = arith.index_cast %parallel_loop3A_10 : i32 to index
      %parallel_loop3A_12 = tpu.vector_load %arg5[%parallel_loop3A_11] {strides = array<i32>} : memref<5184xi32, #tpu.memory_space<vmem>>, vector<16xi32>,
      %parallel_loop3A_13 = arith.constant 16 : i32
      %parallel_loop3A_14 = arith.muli %parallel_loop3A_8, %parallel_loop3A_13 : i32
      %parallel_loop3A_15 = arith.index_cast %parallel_loop3A_14 : i32 to index
      %parallel_loop3A_16 = tpu.vector_load %arg6[%parallel_loop3A_15] {strides = array<i32>} : memref<5184xf32, #tpu.memory_space<vmem>>, vector<16xf32>,
      tpu.vector_store_idx %arg7[%parallel_loop3A_12], %parallel_loop3A_16 {add = true} : memref<10240xf32, #tpu.memory_space<vmem>>[vector<16xi32>], vector<16xf32>,
    } {sc.loop_unroll_factor = 4 : i64, sc.parallel_access}
    "tpu.region"() ({
      %run_scoped3A = tpu.sem_alloc : memref<!tpu.dma_semaphore, #tpu.memory_space<semaphore_mem>>
      %dma_start3A = arith.constant 0 : i32
      %dma_start3A_8 = tpu.memref_slice %arg4[%add3A, %dma_start3A] : memref<32x10240xf32, #tpu.memory_space<hbm>> -> memref<1x10240xf32, #tpu.memory_space<hbm>>
      %dma_start3A_9 = tpu.memref_squeeze %dma_start3A_8 : memref<1x10240xf32, #tpu.memory_space<hbm>> -> memref<10240xf32, #tpu.memory_space<hbm>>
      %dma_start3A_10 = arith.constant 0 : i32
      %dma_start3A_11 = tpu.memref_slice %arg4[%add3A, %dma_start3A_10] : memref<32x10240xf32, #tpu.memory_space<hbm>> -> memref<1x10240xf32, #tpu.memory_space<hbm>>
      %dma_start3A_12 = tpu.memref_squeeze %dma_start3A_11 : memref<1x10240xf32, #tpu.memory_space<hbm>> -> memref<10240xf32, #tpu.memory_space<hbm>>
      tpu.enqueue_dma source(%arg7 : memref<10240xf32, #tpu.memory_space<vmem>>) target(%dma_start3A_12 : memref<10240xf32, #tpu.memory_space<hbm>>) target_semaphore(%run_scoped3A : memref<!tpu.dma_semaphore, #tpu.memory_space<semaphore_mem>>)
      %dma_wait3A = arith.constant 0 : i32
      %dma_wait3A_13 = tpu.memref_slice %arg4[%add3A, %dma_wait3A] : memref<32x10240xf32, #tpu.memory_space<hbm>> -> memref<1x10240xf32, #tpu.memory_space<hbm>>
      %dma_wait3A_14 = tpu.memref_squeeze %dma_wait3A_13 : memref<1x10240xf32, #tpu.memory_space<hbm>> -> memref<10240xf32, #tpu.memory_space<hbm>>
      %dma_wait3A_15 = arith.constant 0 : i32
      %dma_wait3A_16 = tpu.memref_slice %arg4[%add3A, %dma_wait3A_15] : memref<32x10240xf32, #tpu.memory_space<hbm>> -> memref<1x10240xf32, #tpu.memory_space<hbm>>
      %dma_wait3A_17 = tpu.memref_squeeze %dma_wait3A_16 : memref<1x10240xf32, #tpu.memory_space<hbm>> -> memref<10240xf32, #tpu.memory_space<hbm>>
      tpu.wait_dma2 semaphore(%run_scoped3A : memref<!tpu.dma_semaphore, #tpu.memory_space<semaphore_mem>>) src(%arg7 : memref<10240xf32, #tpu.memory_space<vmem>>) dst(%dma_wait3A_17 : memref<10240xf32, #tpu.memory_space<hbm>>)
      tpu.yield
    }) : () -> ()
    return
  }
}

#map = affine_map<(d0, d1) -> (0, 0)>
#map1 = affine_map<(d0, d1) -> (0)>
module attributes {stable_mosaic.version = 14 : i64} {
  func.func @_edge_kernel(%arg0: i32, %arg1: i32, %arg2: memref<327680x8xf32, #tpu.memory_space<hbm>>, %arg3: memref<165888xi32, #tpu.memory_space<hbm>>, %arg4: memref<165888xi32, #tpu.memory_space<hbm>>, %arg5: memref<165888xf32, #tpu.memory_space<hbm>>, %arg6: memref<10240x8xf32, #tpu.memory_space<hbm>>, %arg7: memref<10240x256xf32, #tpu.memory_space<hbm>>, %arg8: memref<2x1536xi32, #tpu.memory_space<vmem>>, %arg9: memref<2x1536xi32, #tpu.memory_space<vmem>>, %arg10: memref<2x1536xf32, #tpu.memory_space<vmem>>, %arg11: memref<2x1536xi32, #tpu.memory_space<vmem>>, %arg12: memref<2x1536x8xf32, #tpu.memory_space<vmem>>, %arg13: memref<10240x8xf32, #tpu.memory_space<vmem>>, %arg14: memref<!tpu.dma_semaphore, #tpu.memory_space<semaphore_mem>>, %arg15: memref<!tpu.dma_semaphore, #tpu.memory_space<semaphore_mem>>, %arg16: memref<!tpu.dma_semaphore, #tpu.memory_space<semaphore_mem>>, %arg17: memref<!tpu.dma_semaphore, #tpu.memory_space<semaphore_mem>>) attributes {dimension_semantics = [#tpu.dimension_semantics<core_parallel>, #tpu.dimension_semantics<subcore_parallel>], iteration_bounds = array<i64: 2, 16>, scalar_prefetch = 0 : i64, scratch_operands = 10 : i64, tpu.core_type = #tpu.core_type<sc_vector_subcore>, window_params = [{transform_indices = #map}, {transform_indices = #map1}, {transform_indices = #map1}, {transform_indices = #map1}, {transform_indices = #map}, {transform_indices = #map}]} {
    %mul3A = arith.constant 2 : i32
    %mul3A_0 = arith.muli %arg1, %mul3A : i32
    %add3A = arith.addi %mul3A_0, %arg0 : i32
    %iota3A = tpu.iota {dimensions = array<i32: 0>} : vector<16xi32>
    %jit3A = arith.constant 8 : i32
    %eq3A = arith.constant 0 : i32
    %eq3A_1 = arith.cmpi eq, %jit3A, %eq3A : i32
    %jit3A_2 = arith.constant 1 : i32
    %select_n3A = arith.select %eq3A_1, %jit3A_2, %jit3A : i32
    %rem3A = vector.broadcast %select_n3A : i32 to vector<16xi32>
    %rem3A_3 = arith.remsi %iota3A, %rem3A : vector<16xi32>
    %ne3A = arith.constant 0 : i32
    %ne3A_4 = vector.broadcast %ne3A : i32 to vector<16xi32>
    %ne3A_5 = arith.cmpi ne, %rem3A_3, %ne3A_4 : vector<16xi32>
    %lt3A = arith.constant 0 : i32
    %lt3A_6 = vector.broadcast %lt3A : i32 to vector<16xi32>
    %lt3A_7 = arith.cmpi slt, %rem3A_3, %lt3A_6 : vector<16xi32>
    %lt3A_8 = arith.constant 0 : i32
    %lt3A_9 = arith.cmpi slt, %select_n3A, %lt3A_8 : i32
    %ne3A_10 = vector.broadcast %lt3A_9 : i1 to vector<16xi1>
    %ne3A_11 = vector.broadcast %ne3A_10 : vector<16xi1> to vector<16xi1>
    %ne3A_12 = arith.xori %lt3A_7, %ne3A_11 : vector<16xi1>
    %and3A = arith.andi %ne3A_12, %ne3A_5 : vector<16xi1>
    %add3A_13 = vector.broadcast %select_n3A : i32 to vector<16xi32>
    %add3A_14 = arith.addi %rem3A_3, %add3A_13 : vector<16xi32>
    %select_n3A_15 = arith.select %and3A, %add3A_14, %rem3A_3 : vector<16xi1>, vector<16xi32>
    %jit3A_16 = arith.constant 8 : i32
    %div3A = vector.broadcast %jit3A_16 : i32 to vector<16xi32>
    %div3A_17 = arith.divsi %iota3A, %div3A : vector<16xi32>
    %sign3A = arith.constant 0 : i32
    %sign3A_18 = vector.broadcast %sign3A : i32 to vector<16xi32>
    %sign3A_19 = arith.cmpi sgt, %iota3A, %sign3A_18 : vector<16xi32>
    %sign3A_20 = arith.extui %sign3A_19 : vector<16xi1> to vector<16xi32>
    %sign3A_21 = arith.constant 0 : i32
    %sign3A_22 = vector.broadcast %sign3A_21 : i32 to vector<16xi32>
    %sign3A_23 = arith.cmpi slt, %iota3A, %sign3A_22 : vector<16xi32>
    %sign3A_24 = arith.extui %sign3A_23 : vector<16xi1> to vector<16xi32>
    %sign3A_25 = arith.subi %sign3A_20, %sign3A_24 : vector<16xi32>
    %sign3A_26 = arith.constant 0 : i32
    %sign3A_27 = arith.cmpi sgt, %jit3A_16, %sign3A_26 : i32
    %sign3A_28 = arith.extui %sign3A_27 : i1 to i32
    %sign3A_29 = arith.constant 0 : i32
    %sign3A_30 = arith.cmpi slt, %jit3A_16, %sign3A_29 : i32
    %sign3A_31 = arith.extui %sign3A_30 : i1 to i32
    %sign3A_32 = arith.subi %sign3A_28, %sign3A_31 : i32
    %ne3A_33 = vector.broadcast %sign3A_32 : i32 to vector<16xi32>
    %ne3A_34 = arith.cmpi ne, %sign3A_25, %ne3A_33 : vector<16xi32>
    %rem3A_35 = vector.broadcast %jit3A_16 : i32 to vector<16xi32>
    %rem3A_36 = arith.remsi %iota3A, %rem3A_35 : vector<16xi32>
    %ne3A_37 = arith.constant 0 : i32
    %ne3A_38 = vector.broadcast %ne3A_37 : i32 to vector<16xi32>
    %ne3A_39 = arith.cmpi ne, %rem3A_36, %ne3A_38 : vector<16xi32>
    %and3A_40 = arith.andi %ne3A_34, %ne3A_39 : vector<16xi1>
    %sub3A = arith.constant 1 : i32
    %sub3A_41 = vector.broadcast %sub3A : i32 to vector<16xi32>
    %sub3A_42 = arith.subi %div3A_17, %sub3A_41 : vector<16xi32>
    %select_n3A_43 = arith.select %and3A_40, %sub3A_42, %div3A_17 : vector<16xi1>, vector<16xi32>
    tpu.enqueue_dma source(%arg6 : memref<10240x8xf32, #tpu.memory_space<hbm>>) target(%arg13 : memref<10240x8xf32, #tpu.memory_space<vmem>>) target_semaphore(%arg16 : memref<!tpu.dma_semaphore, #tpu.memory_space<semaphore_mem>>)
    %dma_start3A = arith.constant 0 : i32
    %dma_start3A_44 = arith.constant 0 : i32
    %dma_start3A_45 = tpu.memref_slice %arg8[%dma_start3A, %dma_start3A_44] : memref<2x1536xi32, #tpu.memory_space<vmem>> -> memref<1x1536xi32, #tpu.memory_space<vmem>>
    %dma_start3A_46 = tpu.memref_squeeze %dma_start3A_45 : memref<1x1536xi32, #tpu.memory_space<vmem>> -> memref<1536xi32, #tpu.memory_space<vmem>>
    %dma_start3A_47 = arith.constant 0 : i32
    %dma_start3A_48 = tpu.memref_slice %arg3[%dma_start3A_47] : memref<165888xi32, #tpu.memory_space<hbm>> -> memref<1536xi32, #tpu.memory_space<hbm>>
    %dma_start3A_49 = arith.constant 0 : i32
    %dma_start3A_50 = tpu.memref_slice %arg8[%dma_start3A, %dma_start3A_49] : memref<2x1536xi32, #tpu.memory_space<vmem>> -> memref<1x1536xi32, #tpu.memory_space<vmem>>
    %dma_start3A_51 = tpu.memref_squeeze %dma_start3A_50 : memref<1x1536xi32, #tpu.memory_space<vmem>> -> memref<1536xi32, #tpu.memory_space<vmem>>
    %dma_start3A_52 = arith.constant 0 : i32
    %dma_start3A_53 = tpu.memref_slice %arg3[%dma_start3A_52] : memref<165888xi32, #tpu.memory_space<hbm>> -> memref<1536xi32, #tpu.memory_space<hbm>>
    tpu.enqueue_dma source(%dma_start3A_53 : memref<1536xi32, #tpu.memory_space<hbm>>) target(%dma_start3A_51 : memref<1536xi32, #tpu.memory_space<vmem>>) target_semaphore(%arg14 : memref<!tpu.dma_semaphore, #tpu.memory_space<semaphore_mem>>)
    %dma_start3A_54 = arith.constant 0 : i32
    %dma_start3A_55 = arith.constant 0 : i32
    %dma_start3A_56 = tpu.memref_slice %arg9[%dma_start3A_54, %dma_start3A_55] : memref<2x1536xi32, #tpu.memory_space<vmem>> -> memref<1x1536xi32, #tpu.memory_space<vmem>>
    %dma_start3A_57 = tpu.memref_squeeze %dma_start3A_56 : memref<1x1536xi32, #tpu.memory_space<vmem>> -> memref<1536xi32, #tpu.memory_space<vmem>>
    %dma_start3A_58 = arith.constant 0 : i32
    %dma_start3A_59 = tpu.memref_slice %arg4[%dma_start3A_58] : memref<165888xi32, #tpu.memory_space<hbm>> -> memref<1536xi32, #tpu.memory_space<hbm>>
    %dma_start3A_60 = arith.constant 0 : i32
    %dma_start3A_61 = tpu.memref_slice %arg9[%dma_start3A_54, %dma_start3A_60] : memref<2x1536xi32, #tpu.memory_space<vmem>> -> memref<1x1536xi32, #tpu.memory_space<vmem>>
    %dma_start3A_62 = tpu.memref_squeeze %dma_start3A_61 : memref<1x1536xi32, #tpu.memory_space<vmem>> -> memref<1536xi32, #tpu.memory_space<vmem>>
    %dma_start3A_63 = arith.constant 0 : i32
    %dma_start3A_64 = tpu.memref_slice %arg4[%dma_start3A_63] : memref<165888xi32, #tpu.memory_space<hbm>> -> memref<1536xi32, #tpu.memory_space<hbm>>
    tpu.enqueue_dma source(%dma_start3A_64 : memref<1536xi32, #tpu.memory_space<hbm>>) target(%dma_start3A_62 : memref<1536xi32, #tpu.memory_space<vmem>>) target_semaphore(%arg14 : memref<!tpu.dma_semaphore, #tpu.memory_space<semaphore_mem>>)
    %dma_start3A_65 = arith.constant 0 : i32
    %dma_start3A_66 = arith.constant 0 : i32
    %dma_start3A_67 = tpu.memref_slice %arg10[%dma_start3A_65, %dma_start3A_66] : memref<2x1536xf32, #tpu.memory_space<vmem>> -> memref<1x1536xf32, #tpu.memory_space<vmem>>
    %dma_start3A_68 = tpu.memref_squeeze %dma_start3A_67 : memref<1x1536xf32, #tpu.memory_space<vmem>> -> memref<1536xf32, #tpu.memory_space<vmem>>
    %dma_start3A_69 = arith.constant 0 : i32
    %dma_start3A_70 = tpu.memref_slice %arg5[%dma_start3A_69] : memref<165888xf32, #tpu.memory_space<hbm>> -> memref<1536xf32, #tpu.memory_space<hbm>>
    %dma_start3A_71 = arith.constant 0 : i32
    %dma_start3A_72 = tpu.memref_slice %arg10[%dma_start3A_65, %dma_start3A_71] : memref<2x1536xf32, #tpu.memory_space<vmem>> -> memref<1x1536xf32, #tpu.memory_space<vmem>>
    %dma_start3A_73 = tpu.memref_squeeze %dma_start3A_72 : memref<1x1536xf32, #tpu.memory_space<vmem>> -> memref<1536xf32, #tpu.memory_space<vmem>>
    %dma_start3A_74 = arith.constant 0 : i32
    %dma_start3A_75 = tpu.memref_slice %arg5[%dma_start3A_74] : memref<165888xf32, #tpu.memory_space<hbm>> -> memref<1536xf32, #tpu.memory_space<hbm>>
    tpu.enqueue_dma source(%dma_start3A_75 : memref<1536xf32, #tpu.memory_space<hbm>>) target(%dma_start3A_73 : memref<1536xf32, #tpu.memory_space<vmem>>) target_semaphore(%arg14 : memref<!tpu.dma_semaphore, #tpu.memory_space<semaphore_mem>>)
    %dma_start3A_76 = arith.constant 1 : i32
    %dma_start3A_77 = arith.constant 0 : i32
    %dma_start3A_78 = tpu.memref_slice %arg8[%dma_start3A_76, %dma_start3A_77] : memref<2x1536xi32, #tpu.memory_space<vmem>> -> memref<1x1536xi32, #tpu.memory_space<vmem>>
    %dma_start3A_79 = tpu.memref_squeeze %dma_start3A_78 : memref<1x1536xi32, #tpu.memory_space<vmem>> -> memref<1536xi32, #tpu.memory_space<vmem>>
    %dma_start3A_80 = arith.constant 1536 : i32
    %dma_start3A_81 = tpu.memref_slice %arg3[%dma_start3A_80] : memref<165888xi32, #tpu.memory_space<hbm>> -> memref<1536xi32, #tpu.memory_space<hbm>>
    %dma_start3A_82 = arith.constant 0 : i32
    %dma_start3A_83 = tpu.memref_slice %arg8[%dma_start3A_76, %dma_start3A_82] : memref<2x1536xi32, #tpu.memory_space<vmem>> -> memref<1x1536xi32, #tpu.memory_space<vmem>>
    %dma_start3A_84 = tpu.memref_squeeze %dma_start3A_83 : memref<1x1536xi32, #tpu.memory_space<vmem>> -> memref<1536xi32, #tpu.memory_space<vmem>>
    %dma_start3A_85 = arith.constant 1536 : i32
    %dma_start3A_86 = tpu.memref_slice %arg3[%dma_start3A_85] : memref<165888xi32, #tpu.memory_space<hbm>> -> memref<1536xi32, #tpu.memory_space<hbm>>
    tpu.enqueue_dma source(%dma_start3A_86 : memref<1536xi32, #tpu.memory_space<hbm>>) target(%dma_start3A_84 : memref<1536xi32, #tpu.memory_space<vmem>>) target_semaphore(%arg15 : memref<!tpu.dma_semaphore, #tpu.memory_space<semaphore_mem>>)
    %dma_start3A_87 = arith.constant 1 : i32
    %dma_start3A_88 = arith.constant 0 : i32
    %dma_start3A_89 = tpu.memref_slice %arg9[%dma_start3A_87, %dma_start3A_88] : memref<2x1536xi32, #tpu.memory_space<vmem>> -> memref<1x1536xi32, #tpu.memory_space<vmem>>
    %dma_start3A_90 = tpu.memref_squeeze %dma_start3A_89 : memref<1x1536xi32, #tpu.memory_space<vmem>> -> memref<1536xi32, #tpu.memory_space<vmem>>
    %dma_start3A_91 = arith.constant 1536 : i32
    %dma_start3A_92 = tpu.memref_slice %arg4[%dma_start3A_91] : memref<165888xi32, #tpu.memory_space<hbm>> -> memref<1536xi32, #tpu.memory_space<hbm>>
    %dma_start3A_93 = arith.constant 0 : i32
    %dma_start3A_94 = tpu.memref_slice %arg9[%dma_start3A_87, %dma_start3A_93] : memref<2x1536xi32, #tpu.memory_space<vmem>> -> memref<1x1536xi32, #tpu.memory_space<vmem>>
    %dma_start3A_95 = tpu.memref_squeeze %dma_start3A_94 : memref<1x1536xi32, #tpu.memory_space<vmem>> -> memref<1536xi32, #tpu.memory_space<vmem>>
    %dma_start3A_96 = arith.constant 1536 : i32
    %dma_start3A_97 = tpu.memref_slice %arg4[%dma_start3A_96] : memref<165888xi32, #tpu.memory_space<hbm>> -> memref<1536xi32, #tpu.memory_space<hbm>>
    tpu.enqueue_dma source(%dma_start3A_97 : memref<1536xi32, #tpu.memory_space<hbm>>) target(%dma_start3A_95 : memref<1536xi32, #tpu.memory_space<vmem>>) target_semaphore(%arg15 : memref<!tpu.dma_semaphore, #tpu.memory_space<semaphore_mem>>)
    %dma_start3A_98 = arith.constant 1 : i32
    %dma_start3A_99 = arith.constant 0 : i32
    %dma_start3A_100 = tpu.memref_slice %arg10[%dma_start3A_98, %dma_start3A_99] : memref<2x1536xf32, #tpu.memory_space<vmem>> -> memref<1x1536xf32, #tpu.memory_space<vmem>>
    %dma_start3A_101 = tpu.memref_squeeze %dma_start3A_100 : memref<1x1536xf32, #tpu.memory_space<vmem>> -> memref<1536xf32, #tpu.memory_space<vmem>>
    %dma_start3A_102 = arith.constant 1536 : i32
    %dma_start3A_103 = tpu.memref_slice %arg5[%dma_start3A_102] : memref<165888xf32, #tpu.memory_space<hbm>> -> memref<1536xf32, #tpu.memory_space<hbm>>
    %dma_start3A_104 = arith.constant 0 : i32
    %dma_start3A_105 = tpu.memref_slice %arg10[%dma_start3A_98, %dma_start3A_104] : memref<2x1536xf32, #tpu.memory_space<vmem>> -> memref<1x1536xf32, #tpu.memory_space<vmem>>
    %dma_start3A_106 = tpu.memref_squeeze %dma_start3A_105 : memref<1x1536xf32, #tpu.memory_space<vmem>> -> memref<1536xf32, #tpu.memory_space<vmem>>
    %dma_start3A_107 = arith.constant 1536 : i32
    %dma_start3A_108 = tpu.memref_slice %arg5[%dma_start3A_107] : memref<165888xf32, #tpu.memory_space<hbm>> -> memref<1536xf32, #tpu.memory_space<hbm>>
    tpu.enqueue_dma source(%dma_start3A_108 : memref<1536xf32, #tpu.memory_space<hbm>>) target(%dma_start3A_106 : memref<1536xf32, #tpu.memory_space<vmem>>) target_semaphore(%arg15 : memref<!tpu.dma_semaphore, #tpu.memory_space<semaphore_mem>>)
    %dma_wait3A = arith.constant 0 : i32
    %dma_wait3A_109 = arith.constant 0 : i32
    %dma_wait3A_110 = tpu.memref_slice %arg8[%dma_wait3A, %dma_wait3A_109] : memref<2x1536xi32, #tpu.memory_space<vmem>> -> memref<1x1536xi32, #tpu.memory_space<vmem>>
    %dma_wait3A_111 = tpu.memref_squeeze %dma_wait3A_110 : memref<1x1536xi32, #tpu.memory_space<vmem>> -> memref<1536xi32, #tpu.memory_space<vmem>>
    %dma_wait3A_112 = arith.constant 0 : i32
    %dma_wait3A_113 = tpu.memref_slice %arg3[%dma_wait3A_112] : memref<165888xi32, #tpu.memory_space<hbm>> -> memref<1536xi32, #tpu.memory_space<hbm>>
    %dma_wait3A_114 = arith.constant 0 : i32
    %dma_wait3A_115 = tpu.memref_slice %arg8[%dma_wait3A, %dma_wait3A_114] : memref<2x1536xi32, #tpu.memory_space<vmem>> -> memref<1x1536xi32, #tpu.memory_space<vmem>>
    %dma_wait3A_116 = tpu.memref_squeeze %dma_wait3A_115 : memref<1x1536xi32, #tpu.memory_space<vmem>> -> memref<1536xi32, #tpu.memory_space<vmem>>
    %dma_wait3A_117 = arith.constant 0 : i32
    %dma_wait3A_118 = tpu.memref_slice %arg3[%dma_wait3A_117] : memref<165888xi32, #tpu.memory_space<hbm>> -> memref<1536xi32, #tpu.memory_space<hbm>>
    tpu.wait_dma2 semaphore(%arg14 : memref<!tpu.dma_semaphore, #tpu.memory_space<semaphore_mem>>) src(%dma_wait3A_118 : memref<1536xi32, #tpu.memory_space<hbm>>) dst(%dma_wait3A_116 : memref<1536xi32, #tpu.memory_space<vmem>>)
    %dma_wait3A_119 = arith.constant 0 : i32
    %dma_wait3A_120 = arith.constant 0 : i32
    %dma_wait3A_121 = tpu.memref_slice %arg9[%dma_wait3A_119, %dma_wait3A_120] : memref<2x1536xi32, #tpu.memory_space<vmem>> -> memref<1x1536xi32, #tpu.memory_space<vmem>>
    %dma_wait3A_122 = tpu.memref_squeeze %dma_wait3A_121 : memref<1x1536xi32, #tpu.memory_space<vmem>> -> memref<1536xi32, #tpu.memory_space<vmem>>
    %dma_wait3A_123 = arith.constant 0 : i32
    %dma_wait3A_124 = tpu.memref_slice %arg4[%dma_wait3A_123] : memref<165888xi32, #tpu.memory_space<hbm>> -> memref<1536xi32, #tpu.memory_space<hbm>>
    %dma_wait3A_125 = arith.constant 0 : i32
    %dma_wait3A_126 = tpu.memref_slice %arg9[%dma_wait3A_119, %dma_wait3A_125] : memref<2x1536xi32, #tpu.memory_space<vmem>> -> memref<1x1536xi32, #tpu.memory_space<vmem>>
    %dma_wait3A_127 = tpu.memref_squeeze %dma_wait3A_126 : memref<1x1536xi32, #tpu.memory_space<vmem>> -> memref<1536xi32, #tpu.memory_space<vmem>>
    %dma_wait3A_128 = arith.constant 0 : i32
    %dma_wait3A_129 = tpu.memref_slice %arg4[%dma_wait3A_128] : memref<165888xi32, #tpu.memory_space<hbm>> -> memref<1536xi32, #tpu.memory_space<hbm>>
    tpu.wait_dma2 semaphore(%arg14 : memref<!tpu.dma_semaphore, #tpu.memory_space<semaphore_mem>>) src(%dma_wait3A_129 : memref<1536xi32, #tpu.memory_space<hbm>>) dst(%dma_wait3A_127 : memref<1536xi32, #tpu.memory_space<vmem>>)
    %dma_wait3A_130 = arith.constant 0 : i32
    %dma_wait3A_131 = arith.constant 0 : i32
    %dma_wait3A_132 = tpu.memref_slice %arg10[%dma_wait3A_130, %dma_wait3A_131] : memref<2x1536xf32, #tpu.memory_space<vmem>> -> memref<1x1536xf32, #tpu.memory_space<vmem>>
    %dma_wait3A_133 = tpu.memref_squeeze %dma_wait3A_132 : memref<1x1536xf32, #tpu.memory_space<vmem>> -> memref<1536xf32, #tpu.memory_space<vmem>>
    %dma_wait3A_134 = arith.constant 0 : i32
    %dma_wait3A_135 = tpu.memref_slice %arg5[%dma_wait3A_134] : memref<165888xf32, #tpu.memory_space<hbm>> -> memref<1536xf32, #tpu.memory_space<hbm>>
    %dma_wait3A_136 = arith.constant 0 : i32
    %dma_wait3A_137 = tpu.memref_slice %arg10[%dma_wait3A_130, %dma_wait3A_136] : memref<2x1536xf32, #tpu.memory_space<vmem>> -> memref<1x1536xf32, #tpu.memory_space<vmem>>
    %dma_wait3A_138 = tpu.memref_squeeze %dma_wait3A_137 : memref<1x1536xf32, #tpu.memory_space<vmem>> -> memref<1536xf32, #tpu.memory_space<vmem>>
    %dma_wait3A_139 = arith.constant 0 : i32
    %dma_wait3A_140 = tpu.memref_slice %arg5[%dma_wait3A_139] : memref<165888xf32, #tpu.memory_space<hbm>> -> memref<1536xf32, #tpu.memory_space<hbm>>
    tpu.wait_dma2 semaphore(%arg14 : memref<!tpu.dma_semaphore, #tpu.memory_space<semaphore_mem>>) src(%dma_wait3A_140 : memref<1536xf32, #tpu.memory_space<hbm>>) dst(%dma_wait3A_138 : memref<1536xf32, #tpu.memory_space<vmem>>)
    %parallel_loop3A = arith.constant 0 : i32
    %parallel_loop3A_141 = arith.constant 96 : i32
    %parallel_loop3A_142 = arith.constant 1 : i32
    scf.for %parallel_loop3A_163 = %parallel_loop3A to %parallel_loop3A_141 step %parallel_loop3A_142  : i32 {
      %parallel_loop3A_164 = arith.constant 16 : i32
      %parallel_loop3A_165 = arith.muli %parallel_loop3A_163, %parallel_loop3A_164 : i32
      %parallel_loop3A_166 = arith.constant 0 : i32
      %parallel_loop3A_167 = arith.index_cast %parallel_loop3A_166 : i32 to index
      %parallel_loop3A_168 = arith.index_cast %parallel_loop3A_165 : i32 to index
      %parallel_loop3A_169 = tpu.vector_load %arg8[%parallel_loop3A_167, %parallel_loop3A_168] {strides = array<i32>} : memref<2x1536xi32, #tpu.memory_space<vmem>>, vector<16xi32>,
      %parallel_loop3A_170 = arith.constant 32 : i32
      %parallel_loop3A_171 = vector.broadcast %parallel_loop3A_170 : i32 to vector<16xi32>
      %parallel_loop3A_172 = arith.muli %parallel_loop3A_169, %parallel_loop3A_171 : vector<16xi32>
      %parallel_loop3A_173 = vector.broadcast %add3A : i32 to vector<16xi32>
      %parallel_loop3A_174 = arith.addi %parallel_loop3A_172, %parallel_loop3A_173 : vector<16xi32>
      %parallel_loop3A_175 = arith.constant 16 : i32
      %parallel_loop3A_176 = arith.muli %parallel_loop3A_163, %parallel_loop3A_175 : i32
      %parallel_loop3A_177 = arith.constant 0 : i32
      %parallel_loop3A_178 = arith.index_cast %parallel_loop3A_177 : i32 to index
      %parallel_loop3A_179 = arith.index_cast %parallel_loop3A_176 : i32 to index
      %parallel_loop3A_180 = tpu.vector_load %arg11[%parallel_loop3A_178, %parallel_loop3A_179] {strides = array<i32>} : memref<2x1536xi32, #tpu.memory_space<vmem>>, vector<16xi32>,
      tpu.vector_store %arg11[%parallel_loop3A_178, %parallel_loop3A_179], %parallel_loop3A_174 {strides = array<i32>} : memref<2x1536xi32, #tpu.memory_space<vmem>>, vector<16xi32>,
    } {sc.loop_unroll_factor = 4 : i64, sc.parallel_access}
    tpu.wait_dma2 semaphore(%arg16 : memref<!tpu.dma_semaphore, #tpu.memory_space<semaphore_mem>>) src(%arg6 : memref<10240x8xf32, #tpu.memory_space<hbm>>) dst(%arg13 : memref<10240x8xf32, #tpu.memory_space<vmem>>)
    %dma_start3A_143 = arith.constant 0 : i32
    %dma_start3A_144 = arith.constant 0 : i32
    %dma_start3A_145 = arith.constant 0 : i32
    %dma_start3A_146 = arith.constant 0 : i32
    %dma_start3A_147 = tpu.memref_slice %arg12[%dma_start3A_144, %dma_start3A_145, %dma_start3A_146] : memref<2x1536x8xf32, #tpu.memory_space<vmem>> -> memref<1x1536x8xf32, #tpu.memory_space<vmem>>
    %dma_start3A_148 = tpu.memref_squeeze %dma_start3A_147 : memref<1x1536x8xf32, #tpu.memory_space<vmem>> -> memref<1536x8xf32, #tpu.memory_space<vmem>>
    %dma_start3A_149 = arith.constant 0 : i32
    %dma_start3A_150 = tpu.memref_slice %arg11[%dma_start3A_143, %dma_start3A_149] : memref<2x1536xi32, #tpu.memory_space<vmem>> -> memref<1x1536xi32, #tpu.memory_space<vmem>>
    %dma_start3A_151 = tpu.memref_squeeze %dma_start3A_150 : memref<1x1536xi32, #tpu.memory_space<vmem>> -> memref<1536xi32, #tpu.memory_space<vmem>>
    %dma_start3A_152 = arith.constant 0 : i32
    %dma_start3A_153 = arith.constant 0 : i32
    %dma_start3A_154 = tpu.memref_slice %arg2[%dma_start3A_152, %dma_start3A_153] : memref<327680x8xf32, #tpu.memory_space<hbm>> -> memref<327680x8xf32, #tpu.memory_space<hbm>>
    tpu.enqueue_indirect_dma source(%dma_start3A_154 : memref<327680x8xf32, #tpu.memory_space<hbm>>) target(%dma_start3A_148 : memref<1536x8xf32, #tpu.memory_space<vmem>>) offsets(%dma_start3A_151 : memref<1536xi32, #tpu.memory_space<vmem>>) semaphore(%arg16 : memref<!tpu.dma_semaphore, #tpu.memory_space<semaphore_mem>>)
    %scan3A = arith.constant 0 : i32
    %scan3A_155 = arith.constant 0 : i32
    %scan3A_156 = arith.constant 54 : i32
    %scan3A_157 = arith.addi %scan3A_155, %scan3A_156 : i32
    %scan3A_158 = arith.constant 1 : i32
    %scan3A_159 = scf.for %scan3A_163 = %scan3A_155 to %scan3A_157 step %scan3A_158 iter_args(%scan3A_164 = %scan3A) -> (i32)  : i32 {
      %mul3A_165 = arith.constant 2 : i32
      %mul3A_166 = arith.muli %scan3A_163, %mul3A_165 : i32
      %add3A_167 = arith.constant 0 : i32
      %add3A_168 = arith.addi %mul3A_166, %add3A_167 : i32
      %add3A_169 = arith.constant 1 : i32
      %add3A_170 = arith.addi %add3A_168, %add3A_169 : i32
      %lt3A_171 = arith.constant 108 : i32
      %lt3A_172 = arith.cmpi slt, %add3A_170, %lt3A_171 : i32
      %convert_element_type3A = arith.extui %lt3A_172 : i1 to i32
      %cond3A = arith.constant 0 : i32
      %cond3A_173 = arith.cmpi ne, %convert_element_type3A, %cond3A : i32
      scf.if %cond3A_173 {
        %dma_wait3A_230 = arith.constant 1 : i32
        %dma_wait3A_231 = arith.constant 0 : i32
        %dma_wait3A_232 = tpu.memref_slice %arg8[%dma_wait3A_230, %dma_wait3A_231] : memref<2x1536xi32, #tpu.memory_space<vmem>> -> memref<1x1536xi32, #tpu.memory_space<vmem>>
        %dma_wait3A_233 = tpu.memref_squeeze %dma_wait3A_232 : memref<1x1536xi32, #tpu.memory_space<vmem>> -> memref<1536xi32, #tpu.memory_space<vmem>>
        %dma_wait3A_234 = arith.constant 0 : i32
        %dma_wait3A_235 = tpu.memref_slice %arg3[%dma_wait3A_234] : memref<165888xi32, #tpu.memory_space<hbm>> -> memref<1536xi32, #tpu.memory_space<hbm>>
        %dma_wait3A_236 = arith.constant 0 : i32
        %dma_wait3A_237 = tpu.memref_slice %arg8[%dma_wait3A_230, %dma_wait3A_236] : memref<2x1536xi32, #tpu.memory_space<vmem>> -> memref<1x1536xi32, #tpu.memory_space<vmem>>
        %dma_wait3A_238 = tpu.memref_squeeze %dma_wait3A_237 : memref<1x1536xi32, #tpu.memory_space<vmem>> -> memref<1536xi32, #tpu.memory_space<vmem>>
        %dma_wait3A_239 = arith.constant 0 : i32
        %dma_wait3A_240 = tpu.memref_slice %arg3[%dma_wait3A_239] : memref<165888xi32, #tpu.memory_space<hbm>> -> memref<1536xi32, #tpu.memory_space<hbm>>
        tpu.wait_dma2 semaphore(%arg15 : memref<!tpu.dma_semaphore, #tpu.memory_space<semaphore_mem>>) src(%dma_wait3A_240 : memref<1536xi32, #tpu.memory_space<hbm>>) dst(%dma_wait3A_238 : memref<1536xi32, #tpu.memory_space<vmem>>)
        %dma_wait3A_241 = arith.constant 1 : i32
        %dma_wait3A_242 = arith.constant 0 : i32
        %dma_wait3A_243 = tpu.memref_slice %arg9[%dma_wait3A_241, %dma_wait3A_242] : memref<2x1536xi32, #tpu.memory_space<vmem>> -> memref<1x1536xi32, #tpu.memory_space<vmem>>
        %dma_wait3A_244 = tpu.memref_squeeze %dma_wait3A_243 : memref<1x1536xi32, #tpu.memory_space<vmem>> -> memref<1536xi32, #tpu.memory_space<vmem>>
        %dma_wait3A_245 = arith.constant 0 : i32
        %dma_wait3A_246 = tpu.memref_slice %arg4[%dma_wait3A_245] : memref<165888xi32, #tpu.memory_space<hbm>> -> memref<1536xi32, #tpu.memory_space<hbm>>
        %dma_wait3A_247 = arith.constant 0 : i32
        %dma_wait3A_248 = tpu.memref_slice %arg9[%dma_wait3A_241, %dma_wait3A_247] : memref<2x1536xi32, #tpu.memory_space<vmem>> -> memref<1x1536xi32, #tpu.memory_space<vmem>>
        %dma_wait3A_249 = tpu.memref_squeeze %dma_wait3A_248 : memref<1x1536xi32, #tpu.memory_space<vmem>> -> memref<1536xi32, #tpu.memory_space<vmem>>
        %dma_wait3A_250 = arith.constant 0 : i32
        %dma_wait3A_251 = tpu.memref_slice %arg4[%dma_wait3A_250] : memref<165888xi32, #tpu.memory_space<hbm>> -> memref<1536xi32, #tpu.memory_space<hbm>>
        tpu.wait_dma2 semaphore(%arg15 : memref<!tpu.dma_semaphore, #tpu.memory_space<semaphore_mem>>) src(%dma_wait3A_251 : memref<1536xi32, #tpu.memory_space<hbm>>) dst(%dma_wait3A_249 : memref<1536xi32, #tpu.memory_space<vmem>>)
        %dma_wait3A_252 = arith.constant 1 : i32
        %dma_wait3A_253 = arith.constant 0 : i32
        %dma_wait3A_254 = tpu.memref_slice %arg10[%dma_wait3A_252, %dma_wait3A_253] : memref<2x1536xf32, #tpu.memory_space<vmem>> -> memref<1x1536xf32, #tpu.memory_space<vmem>>
        %dma_wait3A_255 = tpu.memref_squeeze %dma_wait3A_254 : memref<1x1536xf32, #tpu.memory_space<vmem>> -> memref<1536xf32, #tpu.memory_space<vmem>>
        %dma_wait3A_256 = arith.constant 0 : i32
        %dma_wait3A_257 = tpu.memref_slice %arg5[%dma_wait3A_256] : memref<165888xf32, #tpu.memory_space<hbm>> -> memref<1536xf32, #tpu.memory_space<hbm>>
        %dma_wait3A_258 = arith.constant 0 : i32
        %dma_wait3A_259 = tpu.memref_slice %arg10[%dma_wait3A_252, %dma_wait3A_258] : memref<2x1536xf32, #tpu.memory_space<vmem>> -> memref<1x1536xf32, #tpu.memory_space<vmem>>
        %dma_wait3A_260 = tpu.memref_squeeze %dma_wait3A_259 : memref<1x1536xf32, #tpu.memory_space<vmem>> -> memref<1536xf32, #tpu.memory_space<vmem>>
        %dma_wait3A_261 = arith.constant 0 : i32
        %dma_wait3A_262 = tpu.memref_slice %arg5[%dma_wait3A_261] : memref<165888xf32, #tpu.memory_space<hbm>> -> memref<1536xf32, #tpu.memory_space<hbm>>
        tpu.wait_dma2 semaphore(%arg15 : memref<!tpu.dma_semaphore, #tpu.memory_space<semaphore_mem>>) src(%dma_wait3A_262 : memref<1536xf32, #tpu.memory_space<hbm>>) dst(%dma_wait3A_260 : memref<1536xf32, #tpu.memory_space<vmem>>)
        %parallel_loop3A_263 = arith.constant 0 : i32
        %parallel_loop3A_264 = arith.constant 96 : i32
        %parallel_loop3A_265 = arith.constant 1 : i32
        scf.for %parallel_loop3A_278 = %parallel_loop3A_263 to %parallel_loop3A_264 step %parallel_loop3A_265  : i32 {
          %parallel_loop3A_279 = arith.constant 16 : i32
          %parallel_loop3A_280 = arith.muli %parallel_loop3A_278, %parallel_loop3A_279 : i32
          %parallel_loop3A_281 = arith.constant 1 : i32
          %parallel_loop3A_282 = arith.index_cast %parallel_loop3A_281 : i32 to index
          %parallel_loop3A_283 = arith.index_cast %parallel_loop3A_280 : i32 to index
          %parallel_loop3A_284 = tpu.vector_load %arg8[%parallel_loop3A_282, %parallel_loop3A_283] {strides = array<i32>} : memref<2x1536xi32, #tpu.memory_space<vmem>>, vector<16xi32>,
          %parallel_loop3A_285 = arith.constant 32 : i32
          %parallel_loop3A_286 = vector.broadcast %parallel_loop3A_285 : i32 to vector<16xi32>
          %parallel_loop3A_287 = arith.muli %parallel_loop3A_284, %parallel_loop3A_286 : vector<16xi32>
          %parallel_loop3A_288 = vector.broadcast %add3A : i32 to vector<16xi32>
          %parallel_loop3A_289 = arith.addi %parallel_loop3A_287, %parallel_loop3A_288 : vector<16xi32>
          %parallel_loop3A_290 = arith.constant 16 : i32
          %parallel_loop3A_291 = arith.muli %parallel_loop3A_278, %parallel_loop3A_290 : i32
          %parallel_loop3A_292 = arith.constant 1 : i32
          %parallel_loop3A_293 = arith.index_cast %parallel_loop3A_292 : i32 to index
          %parallel_loop3A_294 = arith.index_cast %parallel_loop3A_291 : i32 to index
          %parallel_loop3A_295 = tpu.vector_load %arg11[%parallel_loop3A_293, %parallel_loop3A_294] {strides = array<i32>} : memref<2x1536xi32, #tpu.memory_space<vmem>>, vector<16xi32>,
          tpu.vector_store %arg11[%parallel_loop3A_293, %parallel_loop3A_294], %parallel_loop3A_289 {strides = array<i32>} : memref<2x1536xi32, #tpu.memory_space<vmem>>, vector<16xi32>,
        } {sc.loop_unroll_factor = 4 : i64, sc.parallel_access}
        %dma_start3A_266 = arith.constant 1 : i32
        %dma_start3A_267 = arith.constant 1 : i32
        %dma_start3A_268 = arith.constant 0 : i32
        %dma_start3A_269 = arith.constant 0 : i32
        %dma_start3A_270 = tpu.memref_slice %arg12[%dma_start3A_267, %dma_start3A_268, %dma_start3A_269] : memref<2x1536x8xf32, #tpu.memory_space<vmem>> -> memref<1x1536x8xf32, #tpu.memory_space<vmem>>
        %dma_start3A_271 = tpu.memref_squeeze %dma_start3A_270 : memref<1x1536x8xf32, #tpu.memory_space<vmem>> -> memref<1536x8xf32, #tpu.memory_space<vmem>>
        %dma_start3A_272 = arith.constant 0 : i32
        %dma_start3A_273 = tpu.memref_slice %arg11[%dma_start3A_266, %dma_start3A_272] : memref<2x1536xi32, #tpu.memory_space<vmem>> -> memref<1x1536xi32, #tpu.memory_space<vmem>>
        %dma_start3A_274 = tpu.memref_squeeze %dma_start3A_273 : memref<1x1536xi32, #tpu.memory_space<vmem>> -> memref<1536xi32, #tpu.memory_space<vmem>>
        %dma_start3A_275 = arith.constant 0 : i32
        %dma_start3A_276 = arith.constant 0 : i32
        %dma_start3A_277 = tpu.memref_slice %arg2[%dma_start3A_275, %dma_start3A_276] : memref<327680x8xf32, #tpu.memory_space<hbm>> -> memref<327680x8xf32, #tpu.memory_space<hbm>>
        tpu.enqueue_indirect_dma source(%dma_start3A_277 : memref<327680x8xf32, #tpu.memory_space<hbm>>) target(%dma_start3A_271 : memref<1536x8xf32, #tpu.memory_space<vmem>>) offsets(%dma_start3A_274 : memref<1536xi32, #tpu.memory_space<vmem>>) semaphore(%arg17 : memref<!tpu.dma_semaphore, #tpu.memory_space<semaphore_mem>>)
      } else {
      }
      %dma_wait3A_174 = arith.constant 0 : i32
      %dma_wait3A_175 = arith.constant 0 : i32
      %dma_wait3A_176 = arith.constant 0 : i32
      %dma_wait3A_177 = arith.constant 0 : i32
      %dma_wait3A_178 = tpu.memref_slice %arg12[%dma_wait3A_175, %dma_wait3A_176, %dma_wait3A_177] : memref<2x1536x8xf32, #tpu.memory_space<vmem>> -> memref<1x1536x8xf32, #tpu.memory_space<vmem>>
      %dma_wait3A_179 = tpu.memref_squeeze %dma_wait3A_178 : memref<1x1536x8xf32, #tpu.memory_space<vmem>> -> memref<1536x8xf32, #tpu.memory_space<vmem>>
      %dma_wait3A_180 = arith.constant 0 : i32
      %dma_wait3A_181 = tpu.memref_slice %arg11[%dma_wait3A_174, %dma_wait3A_180] : memref<2x1536xi32, #tpu.memory_space<vmem>> -> memref<1x1536xi32, #tpu.memory_space<vmem>>
      %dma_wait3A_182 = tpu.memref_squeeze %dma_wait3A_181 : memref<1x1536xi32, #tpu.memory_space<vmem>> -> memref<1536xi32, #tpu.memory_space<vmem>>
      %dma_wait3A_183 = arith.constant 0 : i32
      %dma_wait3A_184 = arith.constant 0 : i32
      %dma_wait3A_185 = tpu.memref_slice %arg2[%dma_wait3A_183, %dma_wait3A_184] : memref<327680x8xf32, #tpu.memory_space<hbm>> -> memref<327680x8xf32, #tpu.memory_space<hbm>>
      tpu.wait_indirect_dma semaphore(%arg16 : memref<!tpu.dma_semaphore, #tpu.memory_space<semaphore_mem>>) src(%dma_wait3A_185 : memref<327680x8xf32, #tpu.memory_space<hbm>>) dst(%dma_wait3A_179 : memref<1536x8xf32, #tpu.memory_space<vmem>>)
      %parallel_loop3A_186 = arith.constant 0 : i32
      %parallel_loop3A_187 = arith.constant 96 : i32
      %parallel_loop3A_188 = arith.constant 1 : i32
      scf.for %parallel_loop3A_230 = %parallel_loop3A_186 to %parallel_loop3A_187 step %parallel_loop3A_188  : i32 {
        %parallel_loop3A_231 = arith.constant 16 : i32
        %parallel_loop3A_232 = arith.muli %parallel_loop3A_230, %parallel_loop3A_231 : i32
        %parallel_loop3A_233 = arith.constant 0 : i32
        %parallel_loop3A_234 = arith.index_cast %parallel_loop3A_233 : i32 to index
        %parallel_loop3A_235 = arith.index_cast %parallel_loop3A_232 : i32 to index
        %parallel_loop3A_236 = tpu.vector_load %arg9[%parallel_loop3A_234, %parallel_loop3A_235] {strides = array<i32>} : memref<2x1536xi32, #tpu.memory_space<vmem>>, vector<16xi32>,
        %parallel_loop3A_237 = arith.constant 16 : i32
        %parallel_loop3A_238 = arith.muli %parallel_loop3A_230, %parallel_loop3A_237 : i32
        %parallel_loop3A_239 = arith.constant 0 : i32
        %parallel_loop3A_240 = arith.index_cast %parallel_loop3A_239 : i32 to index
        %parallel_loop3A_241 = arith.index_cast %parallel_loop3A_238 : i32 to index
        %parallel_loop3A_242 = tpu.vector_load %arg10[%parallel_loop3A_240, %parallel_loop3A_241] {strides = array<i32>} : memref<2x1536xf32, #tpu.memory_space<vmem>>, vector<16xf32>,
        %parallel_loop3A_243 = arith.constant 0 : i32
        %parallel_loop3A_244 = vector.broadcast %parallel_loop3A_243 : i32 to vector<16xi32>
        %parallel_loop3A_245 = arith.addi %select_n3A_43, %parallel_loop3A_244 : vector<16xi32>
        %parallel_loop3A_246 = arith.constant 16 : i32
        %parallel_loop3A_247 = arith.muli %parallel_loop3A_230, %parallel_loop3A_246 : i32
        %parallel_loop3A_248 = vector.broadcast %parallel_loop3A_247 : i32 to vector<16xi32>
        %parallel_loop3A_249 = arith.addi %parallel_loop3A_248, %parallel_loop3A_245 : vector<16xi32>
        %parallel_loop3A_250 = arith.constant 0 : i32
        %parallel_loop3A_251 = arith.constant 0 : i32
        %parallel_loop3A_252 = arith.constant 0 : i32
        %parallel_loop3A_253 = tpu.memref_slice %arg12[%parallel_loop3A_250, %parallel_loop3A_251, %parallel_loop3A_252] : memref<2x1536x8xf32, #tpu.memory_space<vmem>> -> memref<1x1536x8xf32, #tpu.memory_space<vmem>>
        %parallel_loop3A_254 = tpu.memref_squeeze %parallel_loop3A_253 : memref<1x1536x8xf32, #tpu.memory_space<vmem>> -> memref<1536x8xf32, #tpu.memory_space<vmem>>
        %parallel_loop3A_255 = tpu.vector_load_idx %parallel_loop3A_254[%parallel_loop3A_249, %select_n3A_15] : memref<1536x8xf32, #tpu.memory_space<vmem>>[vector<16xi32>, vector<16xi32>], vector<16xf32>,
        %parallel_loop3A_256 = vector.shape_cast %parallel_loop3A_245 : vector<16xi32> to vector<16x1xi32>
        %parallel_loop3A_257 = vector.shape_cast %parallel_loop3A_256 : vector<16x1xi32> to vector<16xi32>
        %parallel_loop3A_258 = tpu.dynamic_gather %parallel_loop3A_242[%parallel_loop3A_257] in [0] : vector<16xf32>, vector<16xi32> -> vector<16xf32>
        %parallel_loop3A_259 = arith.mulf %parallel_loop3A_255, %parallel_loop3A_258 : vector<16xf32>
        %parallel_loop3A_260 = vector.shape_cast %parallel_loop3A_245 : vector<16xi32> to vector<16x1xi32>
        %parallel_loop3A_261 = vector.shape_cast %parallel_loop3A_260 : vector<16x1xi32> to vector<16xi32>
        %parallel_loop3A_262 = tpu.dynamic_gather %parallel_loop3A_236[%parallel_loop3A_261] in [0] : vector<16xi32>, vector<16xi32> -> vector<16xi32>
        tpu.vector_store_idx %arg13[%parallel_loop3A_262, %select_n3A_15], %parallel_loop3A_259 {add = true} : memref<10240x8xf32, #tpu.memory_space<vmem>>[vector<16xi32>, vector<16xi32>], vector<16xf32>,
        %parallel_loop3A_263 = arith.constant 2 : i32
        %parallel_loop3A_264 = vector.broadcast %parallel_loop3A_263 : i32 to vector<16xi32>
        %parallel_loop3A_265 = arith.addi %select_n3A_43, %parallel_loop3A_264 : vector<16xi32>
        %parallel_loop3A_266 = arith.constant 16 : i32
        %parallel_loop3A_267 = arith.muli %parallel_loop3A_230, %parallel_loop3A_266 : i32
        %parallel_loop3A_268 = vector.broadcast %parallel_loop3A_267 : i32 to vector<16xi32>
        %parallel_loop3A_269 = arith.addi %parallel_loop3A_268, %parallel_loop3A_265 : vector<16xi32>
        %parallel_loop3A_270 = arith.constant 0 : i32
        %parallel_loop3A_271 = arith.constant 0 : i32
        %parallel_loop3A_272 = arith.constant 0 : i32
        %parallel_loop3A_273 = tpu.memref_slice %arg12[%parallel_loop3A_270, %parallel_loop3A_271, %parallel_loop3A_272] : memref<2x1536x8xf32, #tpu.memory_space<vmem>> -> memref<1x1536x8xf32, #tpu.memory_space<vmem>>
        %parallel_loop3A_274 = tpu.memref_squeeze %parallel_loop3A_273 : memref<1x1536x8xf32, #tpu.memory_space<vmem>> -> memref<1536x8xf32, #tpu.memory_space<vmem>>
        %parallel_loop3A_275 = tpu.vector_load_idx %parallel_loop3A_274[%parallel_loop3A_269, %select_n3A_15] : memref<1536x8xf32, #tpu.memory_space<vmem>>[vector<16xi32>, vector<16xi32>], vector<16xf32>,
        %parallel_loop3A_276 = vector.shape_cast %parallel_loop3A_265 : vector<16xi32> to vector<16x1xi32>
        %parallel_loop3A_277 = vector.shape_cast %parallel_loop3A_276 : vector<16x1xi32> to vector<16xi32>
        %parallel_loop3A_278 = tpu.dynamic_gather %parallel_loop3A_242[%parallel_loop3A_277] in [0] : vector<16xf32>, vector<16xi32> -> vector<16xf32>
        %parallel_loop3A_279 = arith.mulf %parallel_loop3A_275, %parallel_loop3A_278 : vector<16xf32>
        %parallel_loop3A_280 = vector.shape_cast %parallel_loop3A_265 : vector<16xi32> to vector<16x1xi32>
        %parallel_loop3A_281 = vector.shape_cast %parallel_loop3A_280 : vector<16x1xi32> to vector<16xi32>
        %parallel_loop3A_282 = tpu.dynamic_gather %parallel_loop3A_236[%parallel_loop3A_281] in [0] : vector<16xi32>, vector<16xi32> -> vector<16xi32>
        tpu.vector_store_idx %arg13[%parallel_loop3A_282, %select_n3A_15], %parallel_loop3A_279 {add = true} : memref<10240x8xf32, #tpu.memory_space<vmem>>[vector<16xi32>, vector<16xi32>], vector<16xf32>,
        %parallel_loop3A_283 = arith.constant 4 : i32
        %parallel_loop3A_284 = vector.broadcast %parallel_loop3A_283 : i32 to vector<16xi32>
        %parallel_loop3A_285 = arith.addi %select_n3A_43, %parallel_loop3A_284 : vector<16xi32>
        %parallel_loop3A_286 = arith.constant 16 : i32
        %parallel_loop3A_287 = arith.muli %parallel_loop3A_230, %parallel_loop3A_286 : i32
        %parallel_loop3A_288 = vector.broadcast %parallel_loop3A_287 : i32 to vector<16xi32>
        %parallel_loop3A_289 = arith.addi %parallel_loop3A_288, %parallel_loop3A_285 : vector<16xi32>
        %parallel_loop3A_290 = arith.constant 0 : i32
        %parallel_loop3A_291 = arith.constant 0 : i32
        %parallel_loop3A_292 = arith.constant 0 : i32
        %parallel_loop3A_293 = tpu.memref_slice %arg12[%parallel_loop3A_290, %parallel_loop3A_291, %parallel_loop3A_292] : memref<2x1536x8xf32, #tpu.memory_space<vmem>> -> memref<1x1536x8xf32, #tpu.memory_space<vmem>>
        %parallel_loop3A_294 = tpu.memref_squeeze %parallel_loop3A_293 : memref<1x1536x8xf32, #tpu.memory_space<vmem>> -> memref<1536x8xf32, #tpu.memory_space<vmem>>
        %parallel_loop3A_295 = tpu.vector_load_idx %parallel_loop3A_294[%parallel_loop3A_289, %select_n3A_15] : memref<1536x8xf32, #tpu.memory_space<vmem>>[vector<16xi32>, vector<16xi32>], vector<16xf32>,
        %parallel_loop3A_296 = vector.shape_cast %parallel_loop3A_285 : vector<16xi32> to vector<16x1xi32>
        %parallel_loop3A_297 = vector.shape_cast %parallel_loop3A_296 : vector<16x1xi32> to vector<16xi32>
        %parallel_loop3A_298 = tpu.dynamic_gather %parallel_loop3A_242[%parallel_loop3A_297] in [0] : vector<16xf32>, vector<16xi32> -> vector<16xf32>
        %parallel_loop3A_299 = arith.mulf %parallel_loop3A_295, %parallel_loop3A_298 : vector<16xf32>
        %parallel_loop3A_300 = vector.shape_cast %parallel_loop3A_285 : vector<16xi32> to vector<16x1xi32>
        %parallel_loop3A_301 = vector.shape_cast %parallel_loop3A_300 : vector<16x1xi32> to vector<16xi32>
        %parallel_loop3A_302 = tpu.dynamic_gather %parallel_loop3A_236[%parallel_loop3A_301] in [0] : vector<16xi32>, vector<16xi32> -> vector<16xi32>
        tpu.vector_store_idx %arg13[%parallel_loop3A_302, %select_n3A_15], %parallel_loop3A_299 {add = true} : memref<10240x8xf32, #tpu.memory_space<vmem>>[vector<16xi32>, vector<16xi32>], vector<16xf32>,
        %parallel_loop3A_303 = arith.constant 6 : i32
        %parallel_loop3A_304 = vector.broadcast %parallel_loop3A_303 : i32 to vector<16xi32>
        %parallel_loop3A_305 = arith.addi %select_n3A_43, %parallel_loop3A_304 : vector<16xi32>
        %parallel_loop3A_306 = arith.constant 16 : i32
        %parallel_loop3A_307 = arith.muli %parallel_loop3A_230, %parallel_loop3A_306 : i32
        %parallel_loop3A_308 = vector.broadcast %parallel_loop3A_307 : i32 to vector<16xi32>
        %parallel_loop3A_309 = arith.addi %parallel_loop3A_308, %parallel_loop3A_305 : vector<16xi32>
        %parallel_loop3A_310 = arith.constant 0 : i32
        %parallel_loop3A_311 = arith.constant 0 : i32
        %parallel_loop3A_312 = arith.constant 0 : i32
        %parallel_loop3A_313 = tpu.memref_slice %arg12[%parallel_loop3A_310, %parallel_loop3A_311, %parallel_loop3A_312] : memref<2x1536x8xf32, #tpu.memory_space<vmem>> -> memref<1x1536x8xf32, #tpu.memory_space<vmem>>
        %parallel_loop3A_314 = tpu.memref_squeeze %parallel_loop3A_313 : memref<1x1536x8xf32, #tpu.memory_space<vmem>> -> memref<1536x8xf32, #tpu.memory_space<vmem>>
        %parallel_loop3A_315 = tpu.vector_load_idx %parallel_loop3A_314[%parallel_loop3A_309, %select_n3A_15] : memref<1536x8xf32, #tpu.memory_space<vmem>>[vector<16xi32>, vector<16xi32>], vector<16xf32>,
        %parallel_loop3A_316 = vector.shape_cast %parallel_loop3A_305 : vector<16xi32> to vector<16x1xi32>
        %parallel_loop3A_317 = vector.shape_cast %parallel_loop3A_316 : vector<16x1xi32> to vector<16xi32>
        %parallel_loop3A_318 = tpu.dynamic_gather %parallel_loop3A_242[%parallel_loop3A_317] in [0] : vector<16xf32>, vector<16xi32> -> vector<16xf32>
        %parallel_loop3A_319 = arith.mulf %parallel_loop3A_315, %parallel_loop3A_318 : vector<16xf32>
        %parallel_loop3A_320 = vector.shape_cast %parallel_loop3A_305 : vector<16xi32> to vector<16x1xi32>
        %parallel_loop3A_321 = vector.shape_cast %parallel_loop3A_320 : vector<16x1xi32> to vector<16xi32>
        %parallel_loop3A_322 = tpu.dynamic_gather %parallel_loop3A_236[%parallel_loop3A_321] in [0] : vector<16xi32>, vector<16xi32> -> vector<16xi32>
        tpu.vector_store_idx %arg13[%parallel_loop3A_322, %select_n3A_15], %parallel_loop3A_319 {add = true} : memref<10240x8xf32, #tpu.memory_space<vmem>>[vector<16xi32>, vector<16xi32>], vector<16xf32>,
        %parallel_loop3A_323 = arith.constant 8 : i32
        %parallel_loop3A_324 = vector.broadcast %parallel_loop3A_323 : i32 to vector<16xi32>
        %parallel_loop3A_325 = arith.addi %select_n3A_43, %parallel_loop3A_324 : vector<16xi32>
        %parallel_loop3A_326 = arith.constant 16 : i32
        %parallel_loop3A_327 = arith.muli %parallel_loop3A_230, %parallel_loop3A_326 : i32
        %parallel_loop3A_328 = vector.broadcast %parallel_loop3A_327 : i32 to vector<16xi32>
        %parallel_loop3A_329 = arith.addi %parallel_loop3A_328, %parallel_loop3A_325 : vector<16xi32>
        %parallel_loop3A_330 = arith.constant 0 : i32
        %parallel_loop3A_331 = arith.constant 0 : i32
        %parallel_loop3A_332 = arith.constant 0 : i32
        %parallel_loop3A_333 = tpu.memref_slice %arg12[%parallel_loop3A_330, %parallel_loop3A_331, %parallel_loop3A_332] : memref<2x1536x8xf32, #tpu.memory_space<vmem>> -> memref<1x1536x8xf32, #tpu.memory_space<vmem>>
        %parallel_loop3A_334 = tpu.memref_squeeze %parallel_loop3A_333 : memref<1x1536x8xf32, #tpu.memory_space<vmem>> -> memref<1536x8xf32, #tpu.memory_space<vmem>>
        %parallel_loop3A_335 = tpu.vector_load_idx %parallel_loop3A_334[%parallel_loop3A_329, %select_n3A_15] : memref<1536x8xf32, #tpu.memory_space<vmem>>[vector<16xi32>, vector<16xi32>], vector<16xf32>,
        %parallel_loop3A_336 = vector.shape_cast %parallel_loop3A_325 : vector<16xi32> to vector<16x1xi32>
        %parallel_loop3A_337 = vector.shape_cast %parallel_loop3A_336 : vector<16x1xi32> to vector<16xi32>
        %parallel_loop3A_338 = tpu.dynamic_gather %parallel_loop3A_242[%parallel_loop3A_337] in [0] : vector<16xf32>, vector<16xi32> -> vector<16xf32>
        %parallel_loop3A_339 = arith.mulf %parallel_loop3A_335, %parallel_loop3A_338 : vector<16xf32>
        %parallel_loop3A_340 = vector.shape_cast %parallel_loop3A_325 : vector<16xi32> to vector<16x1xi32>
        %parallel_loop3A_341 = vector.shape_cast %parallel_loop3A_340 : vector<16x1xi32> to vector<16xi32>
        %parallel_loop3A_342 = tpu.dynamic_gather %parallel_loop3A_236[%parallel_loop3A_341] in [0] : vector<16xi32>, vector<16xi32> -> vector<16xi32>
        tpu.vector_store_idx %arg13[%parallel_loop3A_342, %select_n3A_15], %parallel_loop3A_339 {add = true} : memref<10240x8xf32, #tpu.memory_space<vmem>>[vector<16xi32>, vector<16xi32>], vector<16xf32>,
        %parallel_loop3A_343 = arith.constant 10 : i32
        %parallel_loop3A_344 = vector.broadcast %parallel_loop3A_343 : i32 to vector<16xi32>
        %parallel_loop3A_345 = arith.addi %select_n3A_43, %parallel_loop3A_344 : vector<16xi32>
        %parallel_loop3A_346 = arith.constant 16 : i32
        %parallel_loop3A_347 = arith.muli %parallel_loop3A_230, %parallel_loop3A_346 : i32
        %parallel_loop3A_348 = vector.broadcast %parallel_loop3A_347 : i32 to vector<16xi32>
        %parallel_loop3A_349 = arith.addi %parallel_loop3A_348, %parallel_loop3A_345 : vector<16xi32>
        %parallel_loop3A_350 = arith.constant 0 : i32
        %parallel_loop3A_351 = arith.constant 0 : i32
        %parallel_loop3A_352 = arith.constant 0 : i32
        %parallel_loop3A_353 = tpu.memref_slice %arg12[%parallel_loop3A_350, %parallel_loop3A_351, %parallel_loop3A_352] : memref<2x1536x8xf32, #tpu.memory_space<vmem>> -> memref<1x1536x8xf32, #tpu.memory_space<vmem>>
        %parallel_loop3A_354 = tpu.memref_squeeze %parallel_loop3A_353 : memref<1x1536x8xf32, #tpu.memory_space<vmem>> -> memref<1536x8xf32, #tpu.memory_space<vmem>>
        %parallel_loop3A_355 = tpu.vector_load_idx %parallel_loop3A_354[%parallel_loop3A_349, %select_n3A_15] : memref<1536x8xf32, #tpu.memory_space<vmem>>[vector<16xi32>, vector<16xi32>], vector<16xf32>,
        %parallel_loop3A_356 = vector.shape_cast %parallel_loop3A_345 : vector<16xi32> to vector<16x1xi32>
        %parallel_loop3A_357 = vector.shape_cast %parallel_loop3A_356 : vector<16x1xi32> to vector<16xi32>
        %parallel_loop3A_358 = tpu.dynamic_gather %parallel_loop3A_242[%parallel_loop3A_357] in [0] : vector<16xf32>, vector<16xi32> -> vector<16xf32>
        %parallel_loop3A_359 = arith.mulf %parallel_loop3A_355, %parallel_loop3A_358 : vector<16xf32>
        %parallel_loop3A_360 = vector.shape_cast %parallel_loop3A_345 : vector<16xi32> to vector<16x1xi32>
        %parallel_loop3A_361 = vector.shape_cast %parallel_loop3A_360 : vector<16x1xi32> to vector<16xi32>
        %parallel_loop3A_362 = tpu.dynamic_gather %parallel_loop3A_236[%parallel_loop3A_361] in [0] : vector<16xi32>, vector<16xi32> -> vector<16xi32>
        tpu.vector_store_idx %arg13[%parallel_loop3A_362, %select_n3A_15], %parallel_loop3A_359 {add = true} : memref<10240x8xf32, #tpu.memory_space<vmem>>[vector<16xi32>, vector<16xi32>], vector<16xf32>,
        %parallel_loop3A_363 = arith.constant 12 : i32
        %parallel_loop3A_364 = vector.broadcast %parallel_loop3A_363 : i32 to vector<16xi32>
        %parallel_loop3A_365 = arith.addi %select_n3A_43, %parallel_loop3A_364 : vector<16xi32>
        %parallel_loop3A_366 = arith.constant 16 : i32
        %parallel_loop3A_367 = arith.muli %parallel_loop3A_230, %parallel_loop3A_366 : i32
        %parallel_loop3A_368 = vector.broadcast %parallel_loop3A_367 : i32 to vector<16xi32>
        %parallel_loop3A_369 = arith.addi %parallel_loop3A_368, %parallel_loop3A_365 : vector<16xi32>
        %parallel_loop3A_370 = arith.constant 0 : i32
        %parallel_loop3A_371 = arith.constant 0 : i32
        %parallel_loop3A_372 = arith.constant 0 : i32
        %parallel_loop3A_373 = tpu.memref_slice %arg12[%parallel_loop3A_370, %parallel_loop3A_371, %parallel_loop3A_372] : memref<2x1536x8xf32, #tpu.memory_space<vmem>> -> memref<1x1536x8xf32, #tpu.memory_space<vmem>>
        %parallel_loop3A_374 = tpu.memref_squeeze %parallel_loop3A_373 : memref<1x1536x8xf32, #tpu.memory_space<vmem>> -> memref<1536x8xf32, #tpu.memory_space<vmem>>
        %parallel_loop3A_375 = tpu.vector_load_idx %parallel_loop3A_374[%parallel_loop3A_369, %select_n3A_15] : memref<1536x8xf32, #tpu.memory_space<vmem>>[vector<16xi32>, vector<16xi32>], vector<16xf32>,
        %parallel_loop3A_376 = vector.shape_cast %parallel_loop3A_365 : vector<16xi32> to vector<16x1xi32>
        %parallel_loop3A_377 = vector.shape_cast %parallel_loop3A_376 : vector<16x1xi32> to vector<16xi32>
        %parallel_loop3A_378 = tpu.dynamic_gather %parallel_loop3A_242[%parallel_loop3A_377] in [0] : vector<16xf32>, vector<16xi32> -> vector<16xf32>
        %parallel_loop3A_379 = arith.mulf %parallel_loop3A_375, %parallel_loop3A_378 : vector<16xf32>
        %parallel_loop3A_380 = vector.shape_cast %parallel_loop3A_365 : vector<16xi32> to vector<16x1xi32>
        %parallel_loop3A_381 = vector.shape_cast %parallel_loop3A_380 : vector<16x1xi32> to vector<16xi32>
        %parallel_loop3A_382 = tpu.dynamic_gather %parallel_loop3A_236[%parallel_loop3A_381] in [0] : vector<16xi32>, vector<16xi32> -> vector<16xi32>
        tpu.vector_store_idx %arg13[%parallel_loop3A_382, %select_n3A_15], %parallel_loop3A_379 {add = true} : memref<10240x8xf32, #tpu.memory_space<vmem>>[vector<16xi32>, vector<16xi32>], vector<16xf32>,
        %parallel_loop3A_383 = arith.constant 14 : i32
        %parallel_loop3A_384 = vector.broadcast %parallel_loop3A_383 : i32 to vector<16xi32>
        %parallel_loop3A_385 = arith.addi %select_n3A_43, %parallel_loop3A_384 : vector<16xi32>
        %parallel_loop3A_386 = arith.constant 16 : i32
        %parallel_loop3A_387 = arith.muli %parallel_loop3A_230, %parallel_loop3A_386 : i32
        %parallel_loop3A_388 = vector.broadcast %parallel_loop3A_387 : i32 to vector<16xi32>
        %parallel_loop3A_389 = arith.addi %parallel_loop3A_388, %parallel_loop3A_385 : vector<16xi32>
        %parallel_loop3A_390 = arith.constant 0 : i32
        %parallel_loop3A_391 = arith.constant 0 : i32
        %parallel_loop3A_392 = arith.constant 0 : i32
        %parallel_loop3A_393 = tpu.memref_slice %arg12[%parallel_loop3A_390, %parallel_loop3A_391, %parallel_loop3A_392] : memref<2x1536x8xf32, #tpu.memory_space<vmem>> -> memref<1x1536x8xf32, #tpu.memory_space<vmem>>
        %parallel_loop3A_394 = tpu.memref_squeeze %parallel_loop3A_393 : memref<1x1536x8xf32, #tpu.memory_space<vmem>> -> memref<1536x8xf32, #tpu.memory_space<vmem>>
        %parallel_loop3A_395 = tpu.vector_load_idx %parallel_loop3A_394[%parallel_loop3A_389, %select_n3A_15] : memref<1536x8xf32, #tpu.memory_space<vmem>>[vector<16xi32>, vector<16xi32>], vector<16xf32>,
        %parallel_loop3A_396 = vector.shape_cast %parallel_loop3A_385 : vector<16xi32> to vector<16x1xi32>
        %parallel_loop3A_397 = vector.shape_cast %parallel_loop3A_396 : vector<16x1xi32> to vector<16xi32>
        %parallel_loop3A_398 = tpu.dynamic_gather %parallel_loop3A_242[%parallel_loop3A_397] in [0] : vector<16xf32>, vector<16xi32> -> vector<16xf32>
        %parallel_loop3A_399 = arith.mulf %parallel_loop3A_395, %parallel_loop3A_398 : vector<16xf32>
        %parallel_loop3A_400 = vector.shape_cast %parallel_loop3A_385 : vector<16xi32> to vector<16x1xi32>
        %parallel_loop3A_401 = vector.shape_cast %parallel_loop3A_400 : vector<16x1xi32> to vector<16xi32>
        %parallel_loop3A_402 = tpu.dynamic_gather %parallel_loop3A_236[%parallel_loop3A_401] in [0] : vector<16xi32>, vector<16xi32> -> vector<16xi32>
        tpu.vector_store_idx %arg13[%parallel_loop3A_402, %select_n3A_15], %parallel_loop3A_399 {add = true} : memref<10240x8xf32, #tpu.memory_space<vmem>>[vector<16xi32>, vector<16xi32>], vector<16xf32>,
      } {sc.loop_unroll_factor = 1 : i64, sc.parallel_access}
      %add3A_189 = arith.constant 2 : i32
      %add3A_190 = arith.addi %add3A_168, %add3A_189 : i32
      %lt3A_191 = arith.constant 108 : i32
      %lt3A_192 = arith.cmpi slt, %add3A_190, %lt3A_191 : i32
      %convert_element_type3A_193 = arith.extui %lt3A_192 : i1 to i32
      %cond3A_194 = arith.constant 0 : i32
      %cond3A_195 = arith.cmpi ne, %convert_element_type3A_193, %cond3A_194 : i32
      scf.if %cond3A_195 {
        %add3A_230 = arith.constant 2 : i32
        %add3A_231 = arith.addi %add3A_168, %add3A_230 : i32
        %mul3A_232 = arith.constant 1536 : i32
        %mul3A_233 = arith.muli %add3A_231, %mul3A_232 : i32
        %dma_start3A_234 = arith.constant 0 : i32
        %dma_start3A_235 = arith.constant 0 : i32
        %dma_start3A_236 = tpu.memref_slice %arg8[%dma_start3A_234, %dma_start3A_235] : memref<2x1536xi32, #tpu.memory_space<vmem>> -> memref<1x1536xi32, #tpu.memory_space<vmem>>
        %dma_start3A_237 = tpu.memref_squeeze %dma_start3A_236 : memref<1x1536xi32, #tpu.memory_space<vmem>> -> memref<1536xi32, #tpu.memory_space<vmem>>
        %dma_start3A_238 = tpu.memref_slice %arg3[%mul3A_233] : memref<165888xi32, #tpu.memory_space<hbm>> -> memref<1536xi32, #tpu.memory_space<hbm>>
        %dma_start3A_239 = arith.constant 0 : i32
        %dma_start3A_240 = tpu.memref_slice %arg8[%dma_start3A_234, %dma_start3A_239] : memref<2x1536xi32, #tpu.memory_space<vmem>> -> memref<1x1536xi32, #tpu.memory_space<vmem>>
        %dma_start3A_241 = tpu.memref_squeeze %dma_start3A_240 : memref<1x1536xi32, #tpu.memory_space<vmem>> -> memref<1536xi32, #tpu.memory_space<vmem>>
        %dma_start3A_242 = tpu.memref_slice %arg3[%mul3A_233] : memref<165888xi32, #tpu.memory_space<hbm>> -> memref<1536xi32, #tpu.memory_space<hbm>>
        tpu.enqueue_dma source(%dma_start3A_242 : memref<1536xi32, #tpu.memory_space<hbm>>) target(%dma_start3A_241 : memref<1536xi32, #tpu.memory_space<vmem>>) target_semaphore(%arg14 : memref<!tpu.dma_semaphore, #tpu.memory_space<semaphore_mem>>)
        %dma_start3A_243 = arith.constant 0 : i32
        %dma_start3A_244 = arith.constant 0 : i32
        %dma_start3A_245 = tpu.memref_slice %arg9[%dma_start3A_243, %dma_start3A_244] : memref<2x1536xi32, #tpu.memory_space<vmem>> -> memref<1x1536xi32, #tpu.memory_space<vmem>>
        %dma_start3A_246 = tpu.memref_squeeze %dma_start3A_245 : memref<1x1536xi32, #tpu.memory_space<vmem>> -> memref<1536xi32, #tpu.memory_space<vmem>>
        %dma_start3A_247 = tpu.memref_slice %arg4[%mul3A_233] : memref<165888xi32, #tpu.memory_space<hbm>> -> memref<1536xi32, #tpu.memory_space<hbm>>
        %dma_start3A_248 = arith.constant 0 : i32
        %dma_start3A_249 = tpu.memref_slice %arg9[%dma_start3A_243, %dma_start3A_248] : memref<2x1536xi32, #tpu.memory_space<vmem>> -> memref<1x1536xi32, #tpu.memory_space<vmem>>
        %dma_start3A_250 = tpu.memref_squeeze %dma_start3A_249 : memref<1x1536xi32, #tpu.memory_space<vmem>> -> memref<1536xi32, #tpu.memory_space<vmem>>
        %dma_start3A_251 = tpu.memref_slice %arg4[%mul3A_233] : memref<165888xi32, #tpu.memory_space<hbm>> -> memref<1536xi32, #tpu.memory_space<hbm>>
        tpu.enqueue_dma source(%dma_start3A_251 : memref<1536xi32, #tpu.memory_space<hbm>>) target(%dma_start3A_250 : memref<1536xi32, #tpu.memory_space<vmem>>) target_semaphore(%arg14 : memref<!tpu.dma_semaphore, #tpu.memory_space<semaphore_mem>>)
        %dma_start3A_252 = arith.constant 0 : i32
        %dma_start3A_253 = arith.constant 0 : i32
        %dma_start3A_254 = tpu.memref_slice %arg10[%dma_start3A_252, %dma_start3A_253] : memref<2x1536xf32, #tpu.memory_space<vmem>> -> memref<1x1536xf32, #tpu.memory_space<vmem>>
        %dma_start3A_255 = tpu.memref_squeeze %dma_start3A_254 : memref<1x1536xf32, #tpu.memory_space<vmem>> -> memref<1536xf32, #tpu.memory_space<vmem>>
        %dma_start3A_256 = tpu.memref_slice %arg5[%mul3A_233] : memref<165888xf32, #tpu.memory_space<hbm>> -> memref<1536xf32, #tpu.memory_space<hbm>>
        %dma_start3A_257 = arith.constant 0 : i32
        %dma_start3A_258 = tpu.memref_slice %arg10[%dma_start3A_252, %dma_start3A_257] : memref<2x1536xf32, #tpu.memory_space<vmem>> -> memref<1x1536xf32, #tpu.memory_space<vmem>>
        %dma_start3A_259 = tpu.memref_squeeze %dma_start3A_258 : memref<1x1536xf32, #tpu.memory_space<vmem>> -> memref<1536xf32, #tpu.memory_space<vmem>>
        %dma_start3A_260 = tpu.memref_slice %arg5[%mul3A_233] : memref<165888xf32, #tpu.memory_space<hbm>> -> memref<1536xf32, #tpu.memory_space<hbm>>
        tpu.enqueue_dma source(%dma_start3A_260 : memref<1536xf32, #tpu.memory_space<hbm>>) target(%dma_start3A_259 : memref<1536xf32, #tpu.memory_space<vmem>>) target_semaphore(%arg14 : memref<!tpu.dma_semaphore, #tpu.memory_space<semaphore_mem>>)
      } else {
      }
      %mul3A_196 = arith.constant 2 : i32
      %mul3A_197 = arith.muli %scan3A_163, %mul3A_196 : i32
      %add3A_198 = arith.constant 1 : i32
      %add3A_199 = arith.addi %mul3A_197, %add3A_198 : i32
      %add3A_200 = arith.constant 1 : i32
      %add3A_201 = arith.addi %add3A_199, %add3A_200 : i32
      %lt3A_202 = arith.constant 108 : i32
      %lt3A_203 = arith.cmpi slt, %add3A_201, %lt3A_202 : i32
      %convert_element_type3A_204 = arith.extui %lt3A_203 : i1 to i32
      %cond3A_205 = arith.constant 0 : i32
      %cond3A_206 = arith.cmpi ne, %convert_element_type3A_204, %cond3A_205 : i32
      scf.if %cond3A_206 {
        %dma_wait3A_230 = arith.constant 0 : i32
        %dma_wait3A_231 = arith.constant 0 : i32
        %dma_wait3A_232 = tpu.memref_slice %arg8[%dma_wait3A_230, %dma_wait3A_231] : memref<2x1536xi32, #tpu.memory_space<vmem>> -> memref<1x1536xi32, #tpu.memory_space<vmem>>
        %dma_wait3A_233 = tpu.memref_squeeze %dma_wait3A_232 : memref<1x1536xi32, #tpu.memory_space<vmem>> -> memref<1536xi32, #tpu.memory_space<vmem>>
        %dma_wait3A_234 = arith.constant 0 : i32
        %dma_wait3A_235 = tpu.memref_slice %arg3[%dma_wait3A_234] : memref<165888xi32, #tpu.memory_space<hbm>> -> memref<1536xi32, #tpu.memory_space<hbm>>
        %dma_wait3A_236 = arith.constant 0 : i32
        %dma_wait3A_237 = tpu.memref_slice %arg8[%dma_wait3A_230, %dma_wait3A_236] : memref<2x1536xi32, #tpu.memory_space<vmem>> -> memref<1x1536xi32, #tpu.memory_space<vmem>>
        %dma_wait3A_238 = tpu.memref_squeeze %dma_wait3A_237 : memref<1x1536xi32, #tpu.memory_space<vmem>> -> memref<1536xi32, #tpu.memory_space<vmem>>
        %dma_wait3A_239 = arith.constant 0 : i32
        %dma_wait3A_240 = tpu.memref_slice %arg3[%dma_wait3A_239] : memref<165888xi32, #tpu.memory_space<hbm>> -> memref<1536xi32, #tpu.memory_space<hbm>>
        tpu.wait_dma2 semaphore(%arg14 : memref<!tpu.dma_semaphore, #tpu.memory_space<semaphore_mem>>) src(%dma_wait3A_240 : memref<1536xi32, #tpu.memory_space<hbm>>) dst(%dma_wait3A_238 : memref<1536xi32, #tpu.memory_space<vmem>>)
        %dma_wait3A_241 = arith.constant 0 : i32
        %dma_wait3A_242 = arith.constant 0 : i32
        %dma_wait3A_243 = tpu.memref_slice %arg9[%dma_wait3A_241, %dma_wait3A_242] : memref<2x1536xi32, #tpu.memory_space<vmem>> -> memref<1x1536xi32, #tpu.memory_space<vmem>>
        %dma_wait3A_244 = tpu.memref_squeeze %dma_wait3A_243 : memref<1x1536xi32, #tpu.memory_space<vmem>> -> memref<1536xi32, #tpu.memory_space<vmem>>
        %dma_wait3A_245 = arith.constant 0 : i32
        %dma_wait3A_246 = tpu.memref_slice %arg4[%dma_wait3A_245] : memref<165888xi32, #tpu.memory_space<hbm>> -> memref<1536xi32, #tpu.memory_space<hbm>>
        %dma_wait3A_247 = arith.constant 0 : i32
        %dma_wait3A_248 = tpu.memref_slice %arg9[%dma_wait3A_241, %dma_wait3A_247] : memref<2x1536xi32, #tpu.memory_space<vmem>> -> memref<1x1536xi32, #tpu.memory_space<vmem>>
        %dma_wait3A_249 = tpu.memref_squeeze %dma_wait3A_248 : memref<1x1536xi32, #tpu.memory_space<vmem>> -> memref<1536xi32, #tpu.memory_space<vmem>>
        %dma_wait3A_250 = arith.constant 0 : i32
        %dma_wait3A_251 = tpu.memref_slice %arg4[%dma_wait3A_250] : memref<165888xi32, #tpu.memory_space<hbm>> -> memref<1536xi32, #tpu.memory_space<hbm>>
        tpu.wait_dma2 semaphore(%arg14 : memref<!tpu.dma_semaphore, #tpu.memory_space<semaphore_mem>>) src(%dma_wait3A_251 : memref<1536xi32, #tpu.memory_space<hbm>>) dst(%dma_wait3A_249 : memref<1536xi32, #tpu.memory_space<vmem>>)
        %dma_wait3A_252 = arith.constant 0 : i32
        %dma_wait3A_253 = arith.constant 0 : i32
        %dma_wait3A_254 = tpu.memref_slice %arg10[%dma_wait3A_252, %dma_wait3A_253] : memref<2x1536xf32, #tpu.memory_space<vmem>> -> memref<1x1536xf32, #tpu.memory_space<vmem>>
        %dma_wait3A_255 = tpu.memref_squeeze %dma_wait3A_254 : memref<1x1536xf32, #tpu.memory_space<vmem>> -> memref<1536xf32, #tpu.memory_space<vmem>>
        %dma_wait3A_256 = arith.constant 0 : i32
        %dma_wait3A_257 = tpu.memref_slice %arg5[%dma_wait3A_256] : memref<165888xf32, #tpu.memory_space<hbm>> -> memref<1536xf32, #tpu.memory_space<hbm>>
        %dma_wait3A_258 = arith.constant 0 : i32
        %dma_wait3A_259 = tpu.memref_slice %arg10[%dma_wait3A_252, %dma_wait3A_258] : memref<2x1536xf32, #tpu.memory_space<vmem>> -> memref<1x1536xf32, #tpu.memory_space<vmem>>
        %dma_wait3A_260 = tpu.memref_squeeze %dma_wait3A_259 : memref<1x1536xf32, #tpu.memory_space<vmem>> -> memref<1536xf32, #tpu.memory_space<vmem>>
        %dma_wait3A_261 = arith.constant 0 : i32
        %dma_wait3A_262 = tpu.memref_slice %arg5[%dma_wait3A_261] : memref<165888xf32, #tpu.memory_space<hbm>> -> memref<1536xf32, #tpu.memory_space<hbm>>
        tpu.wait_dma2 semaphore(%arg14 : memref<!tpu.dma_semaphore, #tpu.memory_space<semaphore_mem>>) src(%dma_wait3A_262 : memref<1536xf32, #tpu.memory_space<hbm>>) dst(%dma_wait3A_260 : memref<1536xf32, #tpu.memory_space<vmem>>)
        %parallel_loop3A_263 = arith.constant 0 : i32
        %parallel_loop3A_264 = arith.constant 96 : i32
        %parallel_loop3A_265 = arith.constant 1 : i32
        scf.for %parallel_loop3A_278 = %parallel_loop3A_263 to %parallel_loop3A_264 step %parallel_loop3A_265  : i32 {
          %parallel_loop3A_279 = arith.constant 16 : i32
          %parallel_loop3A_280 = arith.muli %parallel_loop3A_278, %parallel_loop3A_279 : i32
          %parallel_loop3A_281 = arith.constant 0 : i32
          %parallel_loop3A_282 = arith.index_cast %parallel_loop3A_281 : i32 to index
          %parallel_loop3A_283 = arith.index_cast %parallel_loop3A_280 : i32 to index
          %parallel_loop3A_284 = tpu.vector_load %arg8[%parallel_loop3A_282, %parallel_loop3A_283] {strides = array<i32>} : memref<2x1536xi32, #tpu.memory_space<vmem>>, vector<16xi32>,
          %parallel_loop3A_285 = arith.constant 32 : i32
          %parallel_loop3A_286 = vector.broadcast %parallel_loop3A_285 : i32 to vector<16xi32>
          %parallel_loop3A_287 = arith.muli %parallel_loop3A_284, %parallel_loop3A_286 : vector<16xi32>
          %parallel_loop3A_288 = vector.broadcast %add3A : i32 to vector<16xi32>
          %parallel_loop3A_289 = arith.addi %parallel_loop3A_287, %parallel_loop3A_288 : vector<16xi32>
          %parallel_loop3A_290 = arith.constant 16 : i32
          %parallel_loop3A_291 = arith.muli %parallel_loop3A_278, %parallel_loop3A_290 : i32
          %parallel_loop3A_292 = arith.constant 0 : i32
          %parallel_loop3A_293 = arith.index_cast %parallel_loop3A_292 : i32 to index
          %parallel_loop3A_294 = arith.index_cast %parallel_loop3A_291 : i32 to index
          %parallel_loop3A_295 = tpu.vector_load %arg11[%parallel_loop3A_293, %parallel_loop3A_294] {strides = array<i32>} : memref<2x1536xi32, #tpu.memory_space<vmem>>, vector<16xi32>,
          tpu.vector_store %arg11[%parallel_loop3A_293, %parallel_loop3A_294], %parallel_loop3A_289 {strides = array<i32>} : memref<2x1536xi32, #tpu.memory_space<vmem>>, vector<16xi32>,
        } {sc.loop_unroll_factor = 4 : i64, sc.parallel_access}
        %dma_start3A_266 = arith.constant 0 : i32
        %dma_start3A_267 = arith.constant 0 : i32
        %dma_start3A_268 = arith.constant 0 : i32
        %dma_start3A_269 = arith.constant 0 : i32
        %dma_start3A_270 = tpu.memref_slice %arg12[%dma_start3A_267, %dma_start3A_268, %dma_start3A_269] : memref<2x1536x8xf32, #tpu.memory_space<vmem>> -> memref<1x1536x8xf32, #tpu.memory_space<vmem>>
        %dma_start3A_271 = tpu.memref_squeeze %dma_start3A_270 : memref<1x1536x8xf32, #tpu.memory_space<vmem>> -> memref<1536x8xf32, #tpu.memory_space<vmem>>
        %dma_start3A_272 = arith.constant 0 : i32
        %dma_start3A_273 = tpu.memref_slice %arg11[%dma_start3A_266, %dma_start3A_272] : memref<2x1536xi32, #tpu.memory_space<vmem>> -> memref<1x1536xi32, #tpu.memory_space<vmem>>
        %dma_start3A_274 = tpu.memref_squeeze %dma_start3A_273 : memref<1x1536xi32, #tpu.memory_space<vmem>> -> memref<1536xi32, #tpu.memory_space<vmem>>
        %dma_start3A_275 = arith.constant 0 : i32
        %dma_start3A_276 = arith.constant 0 : i32
        %dma_start3A_277 = tpu.memref_slice %arg2[%dma_start3A_275, %dma_start3A_276] : memref<327680x8xf32, #tpu.memory_space<hbm>> -> memref<327680x8xf32, #tpu.memory_space<hbm>>
        tpu.enqueue_indirect_dma source(%dma_start3A_277 : memref<327680x8xf32, #tpu.memory_space<hbm>>) target(%dma_start3A_271 : memref<1536x8xf32, #tpu.memory_space<vmem>>) offsets(%dma_start3A_274 : memref<1536xi32, #tpu.memory_space<vmem>>) semaphore(%arg16 : memref<!tpu.dma_semaphore, #tpu.memory_space<semaphore_mem>>)
      } else {
      }
      %dma_wait3A_207 = arith.constant 1 : i32
      %dma_wait3A_208 = arith.constant 1 : i32
      %dma_wait3A_209 = arith.constant 0 : i32
      %dma_wait3A_210 = arith.constant 0 : i32
      %dma_wait3A_211 = tpu.memref_slice %arg12[%dma_wait3A_208, %dma_wait3A_209, %dma_wait3A_210] : memref<2x1536x8xf32, #tpu.memory_space<vmem>> -> memref<1x1536x8xf32, #tpu.memory_space<vmem>>
      %dma_wait3A_212 = tpu.memref_squeeze %dma_wait3A_211 : memref<1x1536x8xf32, #tpu.memory_space<vmem>> -> memref<1536x8xf32, #tpu.memory_space<vmem>>
      %dma_wait3A_213 = arith.constant 0 : i32
      %dma_wait3A_214 = tpu.memref_slice %arg11[%dma_wait3A_207, %dma_wait3A_213] : memref<2x1536xi32, #tpu.memory_space<vmem>> -> memref<1x1536xi32, #tpu.memory_space<vmem>>
      %dma_wait3A_215 = tpu.memref_squeeze %dma_wait3A_214 : memref<1x1536xi32, #tpu.memory_space<vmem>> -> memref<1536xi32, #tpu.memory_space<vmem>>
      %dma_wait3A_216 = arith.constant 0 : i32
      %dma_wait3A_217 = arith.constant 0 : i32
      %dma_wait3A_218 = tpu.memref_slice %arg2[%dma_wait3A_216, %dma_wait3A_217] : memref<327680x8xf32, #tpu.memory_space<hbm>> -> memref<327680x8xf32, #tpu.memory_space<hbm>>
      tpu.wait_indirect_dma semaphore(%arg17 : memref<!tpu.dma_semaphore, #tpu.memory_space<semaphore_mem>>) src(%dma_wait3A_218 : memref<327680x8xf32, #tpu.memory_space<hbm>>) dst(%dma_wait3A_212 : memref<1536x8xf32, #tpu.memory_space<vmem>>)
      %parallel_loop3A_219 = arith.constant 0 : i32
      %parallel_loop3A_220 = arith.constant 96 : i32
      %parallel_loop3A_221 = arith.constant 1 : i32
      scf.for %parallel_loop3A_230 = %parallel_loop3A_219 to %parallel_loop3A_220 step %parallel_loop3A_221  : i32 {
        %parallel_loop3A_231 = arith.constant 16 : i32
        %parallel_loop3A_232 = arith.muli %parallel_loop3A_230, %parallel_loop3A_231 : i32
        %parallel_loop3A_233 = arith.constant 1 : i32
        %parallel_loop3A_234 = arith.index_cast %parallel_loop3A_233 : i32 to index
        %parallel_loop3A_235 = arith.index_cast %parallel_loop3A_232 : i32 to index
        %parallel_loop3A_236 = tpu.vector_load %arg9[%parallel_loop3A_234, %parallel_loop3A_235] {strides = array<i32>} : memref<2x1536xi32, #tpu.memory_space<vmem>>, vector<16xi32>,
        %parallel_loop3A_237 = arith.constant 16 : i32
        %parallel_loop3A_238 = arith.muli %parallel_loop3A_230, %parallel_loop3A_237 : i32
        %parallel_loop3A_239 = arith.constant 1 : i32
        %parallel_loop3A_240 = arith.index_cast %parallel_loop3A_239 : i32 to index
        %parallel_loop3A_241 = arith.index_cast %parallel_loop3A_238 : i32 to index
        %parallel_loop3A_242 = tpu.vector_load %arg10[%parallel_loop3A_240, %parallel_loop3A_241] {strides = array<i32>} : memref<2x1536xf32, #tpu.memory_space<vmem>>, vector<16xf32>,
        %parallel_loop3A_243 = arith.constant 0 : i32
        %parallel_loop3A_244 = vector.broadcast %parallel_loop3A_243 : i32 to vector<16xi32>
        %parallel_loop3A_245 = arith.addi %select_n3A_43, %parallel_loop3A_244 : vector<16xi32>
        %parallel_loop3A_246 = arith.constant 16 : i32
        %parallel_loop3A_247 = arith.muli %parallel_loop3A_230, %parallel_loop3A_246 : i32
        %parallel_loop3A_248 = vector.broadcast %parallel_loop3A_247 : i32 to vector<16xi32>
        %parallel_loop3A_249 = arith.addi %parallel_loop3A_248, %parallel_loop3A_245 : vector<16xi32>
        %parallel_loop3A_250 = arith.constant 1 : i32
        %parallel_loop3A_251 = arith.constant 0 : i32
        %parallel_loop3A_252 = arith.constant 0 : i32
        %parallel_loop3A_253 = tpu.memref_slice %arg12[%parallel_loop3A_250, %parallel_loop3A_251, %parallel_loop3A_252] : memref<2x1536x8xf32, #tpu.memory_space<vmem>> -> memref<1x1536x8xf32, #tpu.memory_space<vmem>>
        %parallel_loop3A_254 = tpu.memref_squeeze %parallel_loop3A_253 : memref<1x1536x8xf32, #tpu.memory_space<vmem>> -> memref<1536x8xf32, #tpu.memory_space<vmem>>
        %parallel_loop3A_255 = tpu.vector_load_idx %parallel_loop3A_254[%parallel_loop3A_249, %select_n3A_15] : memref<1536x8xf32, #tpu.memory_space<vmem>>[vector<16xi32>, vector<16xi32>], vector<16xf32>,
        %parallel_loop3A_256 = vector.shape_cast %parallel_loop3A_245 : vector<16xi32> to vector<16x1xi32>
        %parallel_loop3A_257 = vector.shape_cast %parallel_loop3A_256 : vector<16x1xi32> to vector<16xi32>
        %parallel_loop3A_258 = tpu.dynamic_gather %parallel_loop3A_242[%parallel_loop3A_257] in [0] : vector<16xf32>, vector<16xi32> -> vector<16xf32>
        %parallel_loop3A_259 = arith.mulf %parallel_loop3A_255, %parallel_loop3A_258 : vector<16xf32>
        %parallel_loop3A_260 = vector.shape_cast %parallel_loop3A_245 : vector<16xi32> to vector<16x1xi32>
        %parallel_loop3A_261 = vector.shape_cast %parallel_loop3A_260 : vector<16x1xi32> to vector<16xi32>
        %parallel_loop3A_262 = tpu.dynamic_gather %parallel_loop3A_236[%parallel_loop3A_261] in [0] : vector<16xi32>, vector<16xi32> -> vector<16xi32>
        tpu.vector_store_idx %arg13[%parallel_loop3A_262, %select_n3A_15], %parallel_loop3A_259 {add = true} : memref<10240x8xf32, #tpu.memory_space<vmem>>[vector<16xi32>, vector<16xi32>], vector<16xf32>,
        %parallel_loop3A_263 = arith.constant 2 : i32
        %parallel_loop3A_264 = vector.broadcast %parallel_loop3A_263 : i32 to vector<16xi32>
        %parallel_loop3A_265 = arith.addi %select_n3A_43, %parallel_loop3A_264 : vector<16xi32>
        %parallel_loop3A_266 = arith.constant 16 : i32
        %parallel_loop3A_267 = arith.muli %parallel_loop3A_230, %parallel_loop3A_266 : i32
        %parallel_loop3A_268 = vector.broadcast %parallel_loop3A_267 : i32 to vector<16xi32>
        %parallel_loop3A_269 = arith.addi %parallel_loop3A_268, %parallel_loop3A_265 : vector<16xi32>
        %parallel_loop3A_270 = arith.constant 1 : i32
        %parallel_loop3A_271 = arith.constant 0 : i32
        %parallel_loop3A_272 = arith.constant 0 : i32
        %parallel_loop3A_273 = tpu.memref_slice %arg12[%parallel_loop3A_270, %parallel_loop3A_271, %parallel_loop3A_272] : memref<2x1536x8xf32, #tpu.memory_space<vmem>> -> memref<1x1536x8xf32, #tpu.memory_space<vmem>>
        %parallel_loop3A_274 = tpu.memref_squeeze %parallel_loop3A_273 : memref<1x1536x8xf32, #tpu.memory_space<vmem>> -> memref<1536x8xf32, #tpu.memory_space<vmem>>
        %parallel_loop3A_275 = tpu.vector_load_idx %parallel_loop3A_274[%parallel_loop3A_269, %select_n3A_15] : memref<1536x8xf32, #tpu.memory_space<vmem>>[vector<16xi32>, vector<16xi32>], vector<16xf32>,
        %parallel_loop3A_276 = vector.shape_cast %parallel_loop3A_265 : vector<16xi32> to vector<16x1xi32>
        %parallel_loop3A_277 = vector.shape_cast %parallel_loop3A_276 : vector<16x1xi32> to vector<16xi32>
        %parallel_loop3A_278 = tpu.dynamic_gather %parallel_loop3A_242[%parallel_loop3A_277] in [0] : vector<16xf32>, vector<16xi32> -> vector<16xf32>
        %parallel_loop3A_279 = arith.mulf %parallel_loop3A_275, %parallel_loop3A_278 : vector<16xf32>
        %parallel_loop3A_280 = vector.shape_cast %parallel_loop3A_265 : vector<16xi32> to vector<16x1xi32>
        %parallel_loop3A_281 = vector.shape_cast %parallel_loop3A_280 : vector<16x1xi32> to vector<16xi32>
        %parallel_loop3A_282 = tpu.dynamic_gather %parallel_loop3A_236[%parallel_loop3A_281] in [0] : vector<16xi32>, vector<16xi32> -> vector<16xi32>
        tpu.vector_store_idx %arg13[%parallel_loop3A_282, %select_n3A_15], %parallel_loop3A_279 {add = true} : memref<10240x8xf32, #tpu.memory_space<vmem>>[vector<16xi32>, vector<16xi32>], vector<16xf32>,
        %parallel_loop3A_283 = arith.constant 4 : i32
        %parallel_loop3A_284 = vector.broadcast %parallel_loop3A_283 : i32 to vector<16xi32>
        %parallel_loop3A_285 = arith.addi %select_n3A_43, %parallel_loop3A_284 : vector<16xi32>
        %parallel_loop3A_286 = arith.constant 16 : i32
        %parallel_loop3A_287 = arith.muli %parallel_loop3A_230, %parallel_loop3A_286 : i32
        %parallel_loop3A_288 = vector.broadcast %parallel_loop3A_287 : i32 to vector<16xi32>
        %parallel_loop3A_289 = arith.addi %parallel_loop3A_288, %parallel_loop3A_285 : vector<16xi32>
        %parallel_loop3A_290 = arith.constant 1 : i32
        %parallel_loop3A_291 = arith.constant 0 : i32
        %parallel_loop3A_292 = arith.constant 0 : i32
        %parallel_loop3A_293 = tpu.memref_slice %arg12[%parallel_loop3A_290, %parallel_loop3A_291, %parallel_loop3A_292] : memref<2x1536x8xf32, #tpu.memory_space<vmem>> -> memref<1x1536x8xf32, #tpu.memory_space<vmem>>
        %parallel_loop3A_294 = tpu.memref_squeeze %parallel_loop3A_293 : memref<1x1536x8xf32, #tpu.memory_space<vmem>> -> memref<1536x8xf32, #tpu.memory_space<vmem>>
        %parallel_loop3A_295 = tpu.vector_load_idx %parallel_loop3A_294[%parallel_loop3A_289, %select_n3A_15] : memref<1536x8xf32, #tpu.memory_space<vmem>>[vector<16xi32>, vector<16xi32>], vector<16xf32>,
        %parallel_loop3A_296 = vector.shape_cast %parallel_loop3A_285 : vector<16xi32> to vector<16x1xi32>
        %parallel_loop3A_297 = vector.shape_cast %parallel_loop3A_296 : vector<16x1xi32> to vector<16xi32>
        %parallel_loop3A_298 = tpu.dynamic_gather %parallel_loop3A_242[%parallel_loop3A_297] in [0] : vector<16xf32>, vector<16xi32> -> vector<16xf32>
        %parallel_loop3A_299 = arith.mulf %parallel_loop3A_295, %parallel_loop3A_298 : vector<16xf32>
        %parallel_loop3A_300 = vector.shape_cast %parallel_loop3A_285 : vector<16xi32> to vector<16x1xi32>
        %parallel_loop3A_301 = vector.shape_cast %parallel_loop3A_300 : vector<16x1xi32> to vector<16xi32>
        %parallel_loop3A_302 = tpu.dynamic_gather %parallel_loop3A_236[%parallel_loop3A_301] in [0] : vector<16xi32>, vector<16xi32> -> vector<16xi32>
        tpu.vector_store_idx %arg13[%parallel_loop3A_302, %select_n3A_15], %parallel_loop3A_299 {add = true} : memref<10240x8xf32, #tpu.memory_space<vmem>>[vector<16xi32>, vector<16xi32>], vector<16xf32>,
        %parallel_loop3A_303 = arith.constant 6 : i32
        %parallel_loop3A_304 = vector.broadcast %parallel_loop3A_303 : i32 to vector<16xi32>
        %parallel_loop3A_305 = arith.addi %select_n3A_43, %parallel_loop3A_304 : vector<16xi32>
        %parallel_loop3A_306 = arith.constant 16 : i32
        %parallel_loop3A_307 = arith.muli %parallel_loop3A_230, %parallel_loop3A_306 : i32
        %parallel_loop3A_308 = vector.broadcast %parallel_loop3A_307 : i32 to vector<16xi32>
        %parallel_loop3A_309 = arith.addi %parallel_loop3A_308, %parallel_loop3A_305 : vector<16xi32>
        %parallel_loop3A_310 = arith.constant 1 : i32
        %parallel_loop3A_311 = arith.constant 0 : i32
        %parallel_loop3A_312 = arith.constant 0 : i32
        %parallel_loop3A_313 = tpu.memref_slice %arg12[%parallel_loop3A_310, %parallel_loop3A_311, %parallel_loop3A_312] : memref<2x1536x8xf32, #tpu.memory_space<vmem>> -> memref<1x1536x8xf32, #tpu.memory_space<vmem>>
        %parallel_loop3A_314 = tpu.memref_squeeze %parallel_loop3A_313 : memref<1x1536x8xf32, #tpu.memory_space<vmem>> -> memref<1536x8xf32, #tpu.memory_space<vmem>>
        %parallel_loop3A_315 = tpu.vector_load_idx %parallel_loop3A_314[%parallel_loop3A_309, %select_n3A_15] : memref<1536x8xf32, #tpu.memory_space<vmem>>[vector<16xi32>, vector<16xi32>], vector<16xf32>,
        %parallel_loop3A_316 = vector.shape_cast %parallel_loop3A_305 : vector<16xi32> to vector<16x1xi32>
        %parallel_loop3A_317 = vector.shape_cast %parallel_loop3A_316 : vector<16x1xi32> to vector<16xi32>
        %parallel_loop3A_318 = tpu.dynamic_gather %parallel_loop3A_242[%parallel_loop3A_317] in [0] : vector<16xf32>, vector<16xi32> -> vector<16xf32>
        %parallel_loop3A_319 = arith.mulf %parallel_loop3A_315, %parallel_loop3A_318 : vector<16xf32>
        %parallel_loop3A_320 = vector.shape_cast %parallel_loop3A_305 : vector<16xi32> to vector<16x1xi32>
        %parallel_loop3A_321 = vector.shape_cast %parallel_loop3A_320 : vector<16x1xi32> to vector<16xi32>
        %parallel_loop3A_322 = tpu.dynamic_gather %parallel_loop3A_236[%parallel_loop3A_321] in [0] : vector<16xi32>, vector<16xi32> -> vector<16xi32>
        tpu.vector_store_idx %arg13[%parallel_loop3A_322, %select_n3A_15], %parallel_loop3A_319 {add = true} : memref<10240x8xf32, #tpu.memory_space<vmem>>[vector<16xi32>, vector<16xi32>], vector<16xf32>,
        %parallel_loop3A_323 = arith.constant 8 : i32
        %parallel_loop3A_324 = vector.broadcast %parallel_loop3A_323 : i32 to vector<16xi32>
        %parallel_loop3A_325 = arith.addi %select_n3A_43, %parallel_loop3A_324 : vector<16xi32>
        %parallel_loop3A_326 = arith.constant 16 : i32
        %parallel_loop3A_327 = arith.muli %parallel_loop3A_230, %parallel_loop3A_326 : i32
        %parallel_loop3A_328 = vector.broadcast %parallel_loop3A_327 : i32 to vector<16xi32>
        %parallel_loop3A_329 = arith.addi %parallel_loop3A_328, %parallel_loop3A_325 : vector<16xi32>
        %parallel_loop3A_330 = arith.constant 1 : i32
        %parallel_loop3A_331 = arith.constant 0 : i32
        %parallel_loop3A_332 = arith.constant 0 : i32
        %parallel_loop3A_333 = tpu.memref_slice %arg12[%parallel_loop3A_330, %parallel_loop3A_331, %parallel_loop3A_332] : memref<2x1536x8xf32, #tpu.memory_space<vmem>> -> memref<1x1536x8xf32, #tpu.memory_space<vmem>>
        %parallel_loop3A_334 = tpu.memref_squeeze %parallel_loop3A_333 : memref<1x1536x8xf32, #tpu.memory_space<vmem>> -> memref<1536x8xf32, #tpu.memory_space<vmem>>
        %parallel_loop3A_335 = tpu.vector_load_idx %parallel_loop3A_334[%parallel_loop3A_329, %select_n3A_15] : memref<1536x8xf32, #tpu.memory_space<vmem>>[vector<16xi32>, vector<16xi32>], vector<16xf32>,
        %parallel_loop3A_336 = vector.shape_cast %parallel_loop3A_325 : vector<16xi32> to vector<16x1xi32>
        %parallel_loop3A_337 = vector.shape_cast %parallel_loop3A_336 : vector<16x1xi32> to vector<16xi32>
        %parallel_loop3A_338 = tpu.dynamic_gather %parallel_loop3A_242[%parallel_loop3A_337] in [0] : vector<16xf32>, vector<16xi32> -> vector<16xf32>
        %parallel_loop3A_339 = arith.mulf %parallel_loop3A_335, %parallel_loop3A_338 : vector<16xf32>
        %parallel_loop3A_340 = vector.shape_cast %parallel_loop3A_325 : vector<16xi32> to vector<16x1xi32>
        %parallel_loop3A_341 = vector.shape_cast %parallel_loop3A_340 : vector<16x1xi32> to vector<16xi32>
        %parallel_loop3A_342 = tpu.dynamic_gather %parallel_loop3A_236[%parallel_loop3A_341] in [0] : vector<16xi32>, vector<16xi32> -> vector<16xi32>
        tpu.vector_store_idx %arg13[%parallel_loop3A_342, %select_n3A_15], %parallel_loop3A_339 {add = true} : memref<10240x8xf32, #tpu.memory_space<vmem>>[vector<16xi32>, vector<16xi32>], vector<16xf32>,
        %parallel_loop3A_343 = arith.constant 10 : i32
        %parallel_loop3A_344 = vector.broadcast %parallel_loop3A_343 : i32 to vector<16xi32>
        %parallel_loop3A_345 = arith.addi %select_n3A_43, %parallel_loop3A_344 : vector<16xi32>
        %parallel_loop3A_346 = arith.constant 16 : i32
        %parallel_loop3A_347 = arith.muli %parallel_loop3A_230, %parallel_loop3A_346 : i32
        %parallel_loop3A_348 = vector.broadcast %parallel_loop3A_347 : i32 to vector<16xi32>
        %parallel_loop3A_349 = arith.addi %parallel_loop3A_348, %parallel_loop3A_345 : vector<16xi32>
        %parallel_loop3A_350 = arith.constant 1 : i32
        %parallel_loop3A_351 = arith.constant 0 : i32
        %parallel_loop3A_352 = arith.constant 0 : i32
        %parallel_loop3A_353 = tpu.memref_slice %arg12[%parallel_loop3A_350, %parallel_loop3A_351, %parallel_loop3A_352] : memref<2x1536x8xf32, #tpu.memory_space<vmem>> -> memref<1x1536x8xf32, #tpu.memory_space<vmem>>
        %parallel_loop3A_354 = tpu.memref_squeeze %parallel_loop3A_353 : memref<1x1536x8xf32, #tpu.memory_space<vmem>> -> memref<1536x8xf32, #tpu.memory_space<vmem>>
        %parallel_loop3A_355 = tpu.vector_load_idx %parallel_loop3A_354[%parallel_loop3A_349, %select_n3A_15] : memref<1536x8xf32, #tpu.memory_space<vmem>>[vector<16xi32>, vector<16xi32>], vector<16xf32>,
        %parallel_loop3A_356 = vector.shape_cast %parallel_loop3A_345 : vector<16xi32> to vector<16x1xi32>
        %parallel_loop3A_357 = vector.shape_cast %parallel_loop3A_356 : vector<16x1xi32> to vector<16xi32>
        %parallel_loop3A_358 = tpu.dynamic_gather %parallel_loop3A_242[%parallel_loop3A_357] in [0] : vector<16xf32>, vector<16xi32> -> vector<16xf32>
        %parallel_loop3A_359 = arith.mulf %parallel_loop3A_355, %parallel_loop3A_358 : vector<16xf32>
        %parallel_loop3A_360 = vector.shape_cast %parallel_loop3A_345 : vector<16xi32> to vector<16x1xi32>
        %parallel_loop3A_361 = vector.shape_cast %parallel_loop3A_360 : vector<16x1xi32> to vector<16xi32>
        %parallel_loop3A_362 = tpu.dynamic_gather %parallel_loop3A_236[%parallel_loop3A_361] in [0] : vector<16xi32>, vector<16xi32> -> vector<16xi32>
        tpu.vector_store_idx %arg13[%parallel_loop3A_362, %select_n3A_15], %parallel_loop3A_359 {add = true} : memref<10240x8xf32, #tpu.memory_space<vmem>>[vector<16xi32>, vector<16xi32>], vector<16xf32>,
        %parallel_loop3A_363 = arith.constant 12 : i32
        %parallel_loop3A_364 = vector.broadcast %parallel_loop3A_363 : i32 to vector<16xi32>
        %parallel_loop3A_365 = arith.addi %select_n3A_43, %parallel_loop3A_364 : vector<16xi32>
        %parallel_loop3A_366 = arith.constant 16 : i32
        %parallel_loop3A_367 = arith.muli %parallel_loop3A_230, %parallel_loop3A_366 : i32
        %parallel_loop3A_368 = vector.broadcast %parallel_loop3A_367 : i32 to vector<16xi32>
        %parallel_loop3A_369 = arith.addi %parallel_loop3A_368, %parallel_loop3A_365 : vector<16xi32>
        %parallel_loop3A_370 = arith.constant 1 : i32
        %parallel_loop3A_371 = arith.constant 0 : i32
        %parallel_loop3A_372 = arith.constant 0 : i32
        %parallel_loop3A_373 = tpu.memref_slice %arg12[%parallel_loop3A_370, %parallel_loop3A_371, %parallel_loop3A_372] : memref<2x1536x8xf32, #tpu.memory_space<vmem>> -> memref<1x1536x8xf32, #tpu.memory_space<vmem>>
        %parallel_loop3A_374 = tpu.memref_squeeze %parallel_loop3A_373 : memref<1x1536x8xf32, #tpu.memory_space<vmem>> -> memref<1536x8xf32, #tpu.memory_space<vmem>>
        %parallel_loop3A_375 = tpu.vector_load_idx %parallel_loop3A_374[%parallel_loop3A_369, %select_n3A_15] : memref<1536x8xf32, #tpu.memory_space<vmem>>[vector<16xi32>, vector<16xi32>], vector<16xf32>,
        %parallel_loop3A_376 = vector.shape_cast %parallel_loop3A_365 : vector<16xi32> to vector<16x1xi32>
        %parallel_loop3A_377 = vector.shape_cast %parallel_loop3A_376 : vector<16x1xi32> to vector<16xi32>
        %parallel_loop3A_378 = tpu.dynamic_gather %parallel_loop3A_242[%parallel_loop3A_377] in [0] : vector<16xf32>, vector<16xi32> -> vector<16xf32>
        %parallel_loop3A_379 = arith.mulf %parallel_loop3A_375, %parallel_loop3A_378 : vector<16xf32>
        %parallel_loop3A_380 = vector.shape_cast %parallel_loop3A_365 : vector<16xi32> to vector<16x1xi32>
        %parallel_loop3A_381 = vector.shape_cast %parallel_loop3A_380 : vector<16x1xi32> to vector<16xi32>
        %parallel_loop3A_382 = tpu.dynamic_gather %parallel_loop3A_236[%parallel_loop3A_381] in [0] : vector<16xi32>, vector<16xi32> -> vector<16xi32>
        tpu.vector_store_idx %arg13[%parallel_loop3A_382, %select_n3A_15], %parallel_loop3A_379 {add = true} : memref<10240x8xf32, #tpu.memory_space<vmem>>[vector<16xi32>, vector<16xi32>], vector<16xf32>,
        %parallel_loop3A_383 = arith.constant 14 : i32
        %parallel_loop3A_384 = vector.broadcast %parallel_loop3A_383 : i32 to vector<16xi32>
        %parallel_loop3A_385 = arith.addi %select_n3A_43, %parallel_loop3A_384 : vector<16xi32>
        %parallel_loop3A_386 = arith.constant 16 : i32
        %parallel_loop3A_387 = arith.muli %parallel_loop3A_230, %parallel_loop3A_386 : i32
        %parallel_loop3A_388 = vector.broadcast %parallel_loop3A_387 : i32 to vector<16xi32>
        %parallel_loop3A_389 = arith.addi %parallel_loop3A_388, %parallel_loop3A_385 : vector<16xi32>
        %parallel_loop3A_390 = arith.constant 1 : i32
        %parallel_loop3A_391 = arith.constant 0 : i32
        %parallel_loop3A_392 = arith.constant 0 : i32
        %parallel_loop3A_393 = tpu.memref_slice %arg12[%parallel_loop3A_390, %parallel_loop3A_391, %parallel_loop3A_392] : memref<2x1536x8xf32, #tpu.memory_space<vmem>> -> memref<1x1536x8xf32, #tpu.memory_space<vmem>>
        %parallel_loop3A_394 = tpu.memref_squeeze %parallel_loop3A_393 : memref<1x1536x8xf32, #tpu.memory_space<vmem>> -> memref<1536x8xf32, #tpu.memory_space<vmem>>
        %parallel_loop3A_395 = tpu.vector_load_idx %parallel_loop3A_394[%parallel_loop3A_389, %select_n3A_15] : memref<1536x8xf32, #tpu.memory_space<vmem>>[vector<16xi32>, vector<16xi32>], vector<16xf32>,
        %parallel_loop3A_396 = vector.shape_cast %parallel_loop3A_385 : vector<16xi32> to vector<16x1xi32>
        %parallel_loop3A_397 = vector.shape_cast %parallel_loop3A_396 : vector<16x1xi32> to vector<16xi32>
        %parallel_loop3A_398 = tpu.dynamic_gather %parallel_loop3A_242[%parallel_loop3A_397] in [0] : vector<16xf32>, vector<16xi32> -> vector<16xf32>
        %parallel_loop3A_399 = arith.mulf %parallel_loop3A_395, %parallel_loop3A_398 : vector<16xf32>
        %parallel_loop3A_400 = vector.shape_cast %parallel_loop3A_385 : vector<16xi32> to vector<16x1xi32>
        %parallel_loop3A_401 = vector.shape_cast %parallel_loop3A_400 : vector<16x1xi32> to vector<16xi32>
        %parallel_loop3A_402 = tpu.dynamic_gather %parallel_loop3A_236[%parallel_loop3A_401] in [0] : vector<16xi32>, vector<16xi32> -> vector<16xi32>
        tpu.vector_store_idx %arg13[%parallel_loop3A_402, %select_n3A_15], %parallel_loop3A_399 {add = true} : memref<10240x8xf32, #tpu.memory_space<vmem>>[vector<16xi32>, vector<16xi32>], vector<16xf32>,
      } {sc.loop_unroll_factor = 1 : i64, sc.parallel_access}
      %add3A_222 = arith.constant 2 : i32
      %add3A_223 = arith.addi %add3A_199, %add3A_222 : i32
      %lt3A_224 = arith.constant 108 : i32
      %lt3A_225 = arith.cmpi slt, %add3A_223, %lt3A_224 : i32
      %convert_element_type3A_226 = arith.extui %lt3A_225 : i1 to i32
      %cond3A_227 = arith.constant 0 : i32
      %cond3A_228 = arith.cmpi ne, %convert_element_type3A_226, %cond3A_227 : i32
      scf.if %cond3A_228 {
        %add3A_230 = arith.constant 2 : i32
        %add3A_231 = arith.addi %add3A_199, %add3A_230 : i32
        %mul3A_232 = arith.constant 1536 : i32
        %mul3A_233 = arith.muli %add3A_231, %mul3A_232 : i32
        %dma_start3A_234 = arith.constant 1 : i32
        %dma_start3A_235 = arith.constant 0 : i32
        %dma_start3A_236 = tpu.memref_slice %arg8[%dma_start3A_234, %dma_start3A_235] : memref<2x1536xi32, #tpu.memory_space<vmem>> -> memref<1x1536xi32, #tpu.memory_space<vmem>>
        %dma_start3A_237 = tpu.memref_squeeze %dma_start3A_236 : memref<1x1536xi32, #tpu.memory_space<vmem>> -> memref<1536xi32, #tpu.memory_space<vmem>>
        %dma_start3A_238 = tpu.memref_slice %arg3[%mul3A_233] : memref<165888xi32, #tpu.memory_space<hbm>> -> memref<1536xi32, #tpu.memory_space<hbm>>
        %dma_start3A_239 = arith.constant 0 : i32
        %dma_start3A_240 = tpu.memref_slice %arg8[%dma_start3A_234, %dma_start3A_239] : memref<2x1536xi32, #tpu.memory_space<vmem>> -> memref<1x1536xi32, #tpu.memory_space<vmem>>
        %dma_start3A_241 = tpu.memref_squeeze %dma_start3A_240 : memref<1x1536xi32, #tpu.memory_space<vmem>> -> memref<1536xi32, #tpu.memory_space<vmem>>
        %dma_start3A_242 = tpu.memref_slice %arg3[%mul3A_233] : memref<165888xi32, #tpu.memory_space<hbm>> -> memref<1536xi32, #tpu.memory_space<hbm>>
        tpu.enqueue_dma source(%dma_start3A_242 : memref<1536xi32, #tpu.memory_space<hbm>>) target(%dma_start3A_241 : memref<1536xi32, #tpu.memory_space<vmem>>) target_semaphore(%arg15 : memref<!tpu.dma_semaphore, #tpu.memory_space<semaphore_mem>>)
        %dma_start3A_243 = arith.constant 1 : i32
        %dma_start3A_244 = arith.constant 0 : i32
        %dma_start3A_245 = tpu.memref_slice %arg9[%dma_start3A_243, %dma_start3A_244] : memref<2x1536xi32, #tpu.memory_space<vmem>> -> memref<1x1536xi32, #tpu.memory_space<vmem>>
        %dma_start3A_246 = tpu.memref_squeeze %dma_start3A_245 : memref<1x1536xi32, #tpu.memory_space<vmem>> -> memref<1536xi32, #tpu.memory_space<vmem>>
        %dma_start3A_247 = tpu.memref_slice %arg4[%mul3A_233] : memref<165888xi32, #tpu.memory_space<hbm>> -> memref<1536xi32, #tpu.memory_space<hbm>>
        %dma_start3A_248 = arith.constant 0 : i32
        %dma_start3A_249 = tpu.memref_slice %arg9[%dma_start3A_243, %dma_start3A_248] : memref<2x1536xi32, #tpu.memory_space<vmem>> -> memref<1x1536xi32, #tpu.memory_space<vmem>>
        %dma_start3A_250 = tpu.memref_squeeze %dma_start3A_249 : memref<1x1536xi32, #tpu.memory_space<vmem>> -> memref<1536xi32, #tpu.memory_space<vmem>>
        %dma_start3A_251 = tpu.memref_slice %arg4[%mul3A_233] : memref<165888xi32, #tpu.memory_space<hbm>> -> memref<1536xi32, #tpu.memory_space<hbm>>
        tpu.enqueue_dma source(%dma_start3A_251 : memref<1536xi32, #tpu.memory_space<hbm>>) target(%dma_start3A_250 : memref<1536xi32, #tpu.memory_space<vmem>>) target_semaphore(%arg15 : memref<!tpu.dma_semaphore, #tpu.memory_space<semaphore_mem>>)
        %dma_start3A_252 = arith.constant 1 : i32
        %dma_start3A_253 = arith.constant 0 : i32
        %dma_start3A_254 = tpu.memref_slice %arg10[%dma_start3A_252, %dma_start3A_253] : memref<2x1536xf32, #tpu.memory_space<vmem>> -> memref<1x1536xf32, #tpu.memory_space<vmem>>
        %dma_start3A_255 = tpu.memref_squeeze %dma_start3A_254 : memref<1x1536xf32, #tpu.memory_space<vmem>> -> memref<1536xf32, #tpu.memory_space<vmem>>
        %dma_start3A_256 = tpu.memref_slice %arg5[%mul3A_233] : memref<165888xf32, #tpu.memory_space<hbm>> -> memref<1536xf32, #tpu.memory_space<hbm>>
        %dma_start3A_257 = arith.constant 0 : i32
        %dma_start3A_258 = tpu.memref_slice %arg10[%dma_start3A_252, %dma_start3A_257] : memref<2x1536xf32, #tpu.memory_space<vmem>> -> memref<1x1536xf32, #tpu.memory_space<vmem>>
        %dma_start3A_259 = tpu.memref_squeeze %dma_start3A_258 : memref<1x1536xf32, #tpu.memory_space<vmem>> -> memref<1536xf32, #tpu.memory_space<vmem>>
        %dma_start3A_260 = tpu.memref_slice %arg5[%mul3A_233] : memref<165888xf32, #tpu.memory_space<hbm>> -> memref<1536xf32, #tpu.memory_space<hbm>>
        tpu.enqueue_dma source(%dma_start3A_260 : memref<1536xf32, #tpu.memory_space<hbm>>) target(%dma_start3A_259 : memref<1536xf32, #tpu.memory_space<vmem>>) target_semaphore(%arg15 : memref<!tpu.dma_semaphore, #tpu.memory_space<semaphore_mem>>)
      } else {
      }
      %scan3A_229 = arith.constant 0 : i32
      scf.yield %scan3A_229 : i32
    }
    %scan3A_160 = arith.constant 54 : i32
    %mul3A_161 = arith.constant 8 : i32
    %mul3A_162 = arith.muli %add3A, %mul3A_161 : i32
    "tpu.region"() ({
      %run_scoped3A = tpu.sem_alloc : memref<!tpu.dma_semaphore, #tpu.memory_space<semaphore_mem>>
      %dma_start3A_163 = arith.constant 0 : i32
      %dma_start3A_164 = tpu.memref_slice %arg7[%dma_start3A_163, %mul3A_162] : memref<10240x256xf32, #tpu.memory_space<hbm>> -> memref<10240x8xf32, #tpu.memory_space<hbm>>
      %dma_start3A_165 = arith.constant 0 : i32
      %dma_start3A_166 = tpu.memref_slice %arg7[%dma_start3A_165, %mul3A_162] : memref<10240x256xf32, #tpu.memory_space<hbm>> -> memref<10240x8xf32, #tpu.memory_space<hbm>>
      tpu.enqueue_dma source(%arg13 : memref<10240x8xf32, #tpu.memory_space<vmem>>) target(%dma_start3A_166 : memref<10240x8xf32, #tpu.memory_space<hbm>>) target_semaphore(%run_scoped3A : memref<!tpu.dma_semaphore, #tpu.memory_space<semaphore_mem>>)
      %dma_wait3A_167 = arith.constant 0 : i32
      %dma_wait3A_168 = tpu.memref_slice %arg7[%dma_wait3A_167, %mul3A_162] : memref<10240x256xf32, #tpu.memory_space<hbm>> -> memref<10240x8xf32, #tpu.memory_space<hbm>>
      %dma_wait3A_169 = arith.constant 0 : i32
      %dma_wait3A_170 = tpu.memref_slice %arg7[%dma_wait3A_169, %mul3A_162] : memref<10240x256xf32, #tpu.memory_space<hbm>> -> memref<10240x8xf32, #tpu.memory_space<hbm>>
      tpu.wait_dma2 semaphore(%run_scoped3A : memref<!tpu.dma_semaphore, #tpu.memory_space<semaphore_mem>>) src(%arg13 : memref<10240x8xf32, #tpu.memory_space<vmem>>) dst(%dma_wait3A_170 : memref<10240x8xf32, #tpu.memory_space<hbm>>)
      tpu.yield
    }) : () -> ()
    return
  }
}

module attributes {stable_mosaic.version = 14 : i64} {
  func.func @_mm_body(%arg0: i32, %arg1: memref<512x256xf32, #tpu.memory_space<vmem>>, %arg2: memref<256x256xf32, #tpu.memory_space<vmem>>, %arg3: memref<512x256xf32, #tpu.memory_space<vmem>>) attributes {dimension_semantics = [#tpu.dimension_semantics<arbitrary>], iteration_bounds = array<i64: 20>, scalar_prefetch = 0 : i64, scratch_operands = 0 : i64, tpu.core_type = #tpu.core_type<tc>, window_params = [{transform_indices = @transform_0, window_bounds = array<i64: 512, 256>}, {pipeline_mode = #tpu.pipeline_mode<synchronous>, transform_indices = @transform_1, window_bounds = array<i64: 256, 256>}, {transform_indices = @transform_2, window_bounds = array<i64: 512, 256>}]} {
    %get3A = arith.constant 0 : index
    %get3A_0 = arith.constant 0 : index
    %get3A_1 = vector.load %arg1[%get3A, %get3A_0] : memref<512x256xf32, #tpu.memory_space<vmem>>, vector<512x256xf32>
    %get3A_2 = arith.constant 0 : index
    %get3A_3 = arith.constant 0 : index
    %get3A_4 = vector.load %arg2[%get3A_2, %get3A_3] : memref<256x256xf32, #tpu.memory_space<vmem>>, vector<256x256xf32>
    %dot_general3A = arith.constant dense<0.000000e+00> : vector<512x256xf32>
    %dot_general3A_5 = tpu.matmul %get3A_1, %get3A_4, %dot_general3A {dimension_numbers = #tpu.dot_dimension_numbers<[1], [0], [0], [1], [0, 0, 1, 1], [], []>, transpose_lhs_hint = false} : vector<512x256xf32>, vector<256x256xf32>, vector<512x256xf32> -> vector<512x256xf32>
    %swap3A = arith.constant 0 : index
    %swap3A_6 = arith.constant 0 : index
    %swap3A_7 = vector.load %arg3[%swap3A, %swap3A_6] : memref<512x256xf32, #tpu.memory_space<vmem>>, vector<512x256xf32>
    tpu.vector_store %arg3[%swap3A, %swap3A_6], %dot_general3A_5 {strides = array<i32>} : memref<512x256xf32, #tpu.memory_space<vmem>>, vector<512x256xf32>,
    return
  }
  func.func @transform_0(%arg0: i32) -> (i32, i32) {
    %c0_i32 = arith.constant 0 : i32
    %c0_i32_0 = arith.constant 0 : i32
    return %arg0, %c0_i32 : i32, i32
  }
  func.func @transform_1(%arg0: i32) -> (i32, i32) {
    %c0_i32 = arith.constant 0 : i32
    %c0_i32_0 = arith.constant 0 : i32
    %c0_i32_1 = arith.constant 0 : i32
    return %c0_i32, %c0_i32_0 : i32, i32
  }
  func.func @transform_2(%arg0: i32) -> (i32, i32) {
    %c0_i32 = arith.constant 0 : i32
    %c0_i32_0 = arith.constant 0 : i32
    return %arg0, %c0_i32 : i32, i32
  }
}

module attributes {stable_mosaic.version = 14 : i64} {
  func.func @_scale_body(%arg0: i32, %arg1: memref<32x512xf32, #tpu.memory_space<vmem>>, %arg2: memref<512x256xf32, #tpu.memory_space<vmem>>, %arg3: memref<512x256xf32, #tpu.memory_space<vmem>>) attributes {dimension_semantics = [#tpu.dimension_semantics<arbitrary>], iteration_bounds = array<i64: 20>, scalar_prefetch = 0 : i64, scratch_operands = 0 : i64, tpu.core_type = #tpu.core_type<tc>, window_params = [{transform_indices = @transform_0, window_bounds = array<i64: 32, 512>}, {transform_indices = @transform_1, window_bounds = array<i64: 512, 256>}, {transform_indices = @transform_2, window_bounds = array<i64: 512, 256>}]} {
    %get3A = arith.constant 0 : index
    %get3A_0 = arith.constant 0 : index
    %get3A_1 = vector.load %arg1[%get3A, %get3A_0] : memref<32x512xf32, #tpu.memory_space<vmem>>, vector<32x512xf32>
    %reduce_sum3A = arith.constant dense<0.000000e+00> : vector<512xf32>
    %reduce_sum3A_2 = vector.multi_reduction <add>, %get3A_1, %reduce_sum3A [0] : vector<32x512xf32> to vector<512xf32>
    %add3A = arith.constant 1.000000e+00 : f32
    %add3A_3 = vector.broadcast %add3A : f32 to vector<512xf32>
    %add3A_4 = arith.addf %add3A_3, %reduce_sum3A_2 : vector<512xf32>
    %gt3A = arith.constant 0.000000e+00 : f32
    %gt3A_5 = vector.broadcast %gt3A : f32 to vector<512xf32>
    %gt3A_6 = arith.cmpf ogt, %add3A_4, %gt3A_5 : vector<512xf32>
    %rsqrt3A = math.rsqrt %add3A_4 : vector<512xf32>
    %jit3A = arith.constant 0.000000e+00 : f32
    %broadcast_in_dim3A = vector.broadcast %jit3A : f32 to vector<512xf32>
    %select_n3A = arith.select %gt3A_6, %rsqrt3A, %broadcast_in_dim3A : vector<512xi1>, vector<512xf32>
    %get3A_7 = arith.constant 0 : index
    %get3A_8 = arith.constant 0 : index
    %get3A_9 = vector.load %arg2[%get3A_7, %get3A_8] : memref<512x256xf32, #tpu.memory_space<vmem>>, vector<512x256xf32>
    %broadcast_in_dim3A_10 = vector.shape_cast %select_n3A : vector<512xf32> to vector<512x1xf32>
    %mul3A = vector.broadcast %broadcast_in_dim3A_10 : vector<512x1xf32> to vector<512x256xf32>
    %mul3A_11 = arith.mulf %get3A_9, %mul3A : vector<512x256xf32>
    %swap3A = arith.constant 0 : index
    %swap3A_12 = arith.constant 0 : index
    %swap3A_13 = vector.load %arg3[%swap3A, %swap3A_12] : memref<512x256xf32, #tpu.memory_space<vmem>>, vector<512x256xf32>
    tpu.vector_store %arg3[%swap3A, %swap3A_12], %mul3A_11 {strides = array<i32>} : memref<512x256xf32, #tpu.memory_space<vmem>>, vector<512x256xf32>,
    return
  }
  func.func @transform_0(%arg0: i32) -> (i32, i32) {
    %c0_i32 = arith.constant 0 : i32
    %c0_i32_0 = arith.constant 0 : i32
    return %c0_i32, %arg0 : i32, i32
  }
  func.func @transform_1(%arg0: i32) -> (i32, i32) {
    %c0_i32 = arith.constant 0 : i32
    %c0_i32_0 = arith.constant 0 : i32
    return %arg0, %c0_i32 : i32, i32
  }
  func.func @transform_2(%arg0: i32) -> (i32, i32) {
    %c0_i32 = arith.constant 0 : i32
    %c0_i32_0 = arith.constant 0 : i32
    return %arg0, %c0_i32 : i32, i32
  }
}

module attributes {stable_mosaic.version = 14 : i64} {
  func.func @_final_body(%arg0: i32, %arg1: memref<32x512xf32, #tpu.memory_space<vmem>>, %arg2: memref<512x256xf32, #tpu.memory_space<vmem>>, %arg3: memref<512x256xf32, #tpu.memory_space<vmem>>, %arg4: memref<1x256xf32, #tpu.memory_space<vmem>>, %arg5: memref<512x256xf32, #tpu.memory_space<vmem>>) attributes {dimension_semantics = [#tpu.dimension_semantics<arbitrary>], iteration_bounds = array<i64: 20>, scalar_prefetch = 0 : i64, scratch_operands = 0 : i64, tpu.core_type = #tpu.core_type<tc>, window_params = [{transform_indices = @transform_0, window_bounds = array<i64: 32, 512>}, {transform_indices = @transform_1, window_bounds = array<i64: 512, 256>}, {transform_indices = @transform_2, window_bounds = array<i64: 512, 256>}, {pipeline_mode = #tpu.pipeline_mode<synchronous>, transform_indices = @transform_3, window_bounds = array<i64: 1, 256>}, {transform_indices = @transform_4, window_bounds = array<i64: 512, 256>}]} {
    %get3A = arith.constant 0 : index
    %get3A_0 = arith.constant 0 : index
    %get3A_1 = vector.load %arg1[%get3A, %get3A_0] : memref<32x512xf32, #tpu.memory_space<vmem>>, vector<32x512xf32>
    %reduce_sum3A = arith.constant dense<0.000000e+00> : vector<512xf32>
    %reduce_sum3A_2 = vector.multi_reduction <add>, %get3A_1, %reduce_sum3A [0] : vector<32x512xf32> to vector<512xf32>
    %add3A = arith.constant 1.000000e+00 : f32
    %add3A_3 = vector.broadcast %add3A : f32 to vector<512xf32>
    %add3A_4 = arith.addf %add3A_3, %reduce_sum3A_2 : vector<512xf32>
    %gt3A = arith.constant 0.000000e+00 : f32
    %gt3A_5 = vector.broadcast %gt3A : f32 to vector<512xf32>
    %gt3A_6 = arith.cmpf ogt, %add3A_4, %gt3A_5 : vector<512xf32>
    %rsqrt3A = math.rsqrt %add3A_4 : vector<512xf32>
    %jit3A = arith.constant 0.000000e+00 : f32
    %broadcast_in_dim3A = vector.broadcast %jit3A : f32 to vector<512xf32>
    %select_n3A = arith.select %gt3A_6, %rsqrt3A, %broadcast_in_dim3A : vector<512xi1>, vector<512xf32>
    %broadcast_in_dim3A_7 = vector.shape_cast %select_n3A : vector<512xf32> to vector<512x1xf32>
    %get3A_8 = arith.constant 0 : index
    %get3A_9 = arith.constant 0 : index
    %get3A_10 = vector.load %arg2[%get3A_8, %get3A_9] : memref<512x256xf32, #tpu.memory_space<vmem>>, vector<512x256xf32>
    %get3A_11 = arith.constant 0 : index
    %get3A_12 = arith.constant 0 : index
    %get3A_13 = vector.load %arg3[%get3A_11, %get3A_12] : memref<512x256xf32, #tpu.memory_space<vmem>>, vector<512x256xf32>
    %add3A_14 = arith.addf %get3A_10, %get3A_13 : vector<512x256xf32>
    %mul3A = vector.broadcast %broadcast_in_dim3A_7 : vector<512x1xf32> to vector<512x256xf32>
    %mul3A_15 = arith.mulf %mul3A, %add3A_14 : vector<512x256xf32>
    %get3A_16 = arith.constant 0 : index
    %get3A_17 = arith.constant 0 : index
    %get3A_18 = vector.load %arg4[%get3A_16, %get3A_17] : memref<1x256xf32, #tpu.memory_space<vmem>>, vector<1x256xf32>
    %add3A_19 = vector.broadcast %get3A_18 : vector<1x256xf32> to vector<512x256xf32>
    %add3A_20 = arith.addf %mul3A_15, %add3A_19 : vector<512x256xf32>
    %max3A = arith.constant 0.000000e+00 : f32
    %max3A_21 = vector.broadcast %max3A : f32 to vector<512x256xf32>
    %max3A_22 = arith.maximumf %add3A_20, %max3A_21 : vector<512x256xf32>
    %swap3A = arith.constant 0 : index
    %swap3A_23 = arith.constant 0 : index
    %swap3A_24 = vector.load %arg5[%swap3A, %swap3A_23] : memref<512x256xf32, #tpu.memory_space<vmem>>, vector<512x256xf32>
    tpu.vector_store %arg5[%swap3A, %swap3A_23], %max3A_22 {strides = array<i32>} : memref<512x256xf32, #tpu.memory_space<vmem>>, vector<512x256xf32>,
    return
  }
  func.func @transform_0(%arg0: i32) -> (i32, i32) {
    %c0_i32 = arith.constant 0 : i32
    %c0_i32_0 = arith.constant 0 : i32
    return %c0_i32, %arg0 : i32, i32
  }
  func.func @transform_1(%arg0: i32) -> (i32, i32) {
    %c0_i32 = arith.constant 0 : i32
    %c0_i32_0 = arith.constant 0 : i32
    return %arg0, %c0_i32 : i32, i32
  }
  func.func @transform_2(%arg0: i32) -> (i32, i32) {
    %c0_i32 = arith.constant 0 : i32
    %c0_i32_0 = arith.constant 0 : i32
    return %arg0, %c0_i32 : i32, i32
  }
  func.func @transform_3(%arg0: i32) -> (i32, i32) {
    %c0_i32 = arith.constant 0 : i32
    %c0_i32_0 = arith.constant 0 : i32
    %c0_i32_1 = arith.constant 0 : i32
    return %c0_i32, %c0_i32_0 : i32, i32
  }
  func.func @transform_4(%arg0: i32) -> (i32, i32) {
    %c0_i32 = arith.constant 0 : i32
    %c0_i32_0 = arith.constant 0 : i32
    return %arg0, %c0_i32 : i32, i32
  }
}

</mosaic_0001>

<sc_bundles>
// kernel: _impl.10.cloned.1.call-start
scs
__scs_entry_jumppad:
0x0: {  	(pc) =	sbr.rel $0x88, $3  }
0x1: {  	(tag) =	ssettag $0x0;
	lr =	simm.s32 $0x1  }
0x2: {  	[smem:$0x3F9C] =	sst lr;
	_ =	strace $0xD0000000  }
0x3: {  	_ = 	snop  }
0x4: {  	_ = 	snop  }
0x5: {  	_ = 	snop  }
0x6: {  	_ = 	snop  }
0x7: {  	_ = 	snop  }
__scs_overlays_trampoline_lowered:
0x8: {  	[smem:$0x3FAB] =	sst s0  }
0x9: {  	[smem:$0x3FAC] =	sst s1  }
0xa: {  	[smem:$0x3FAD] =	sst s2  }
0xb: {  	[smem:$0x3FAE] =	sst s3  }
0xc: {  	[smem:$0x3FAF] =	sst s4  }
0xd: {  	[smem:$0x3FB0] =	sst s5  }
0xe: {  	[smem:$0x3FB1] =	sst s6  }
0xf: {  	[smem:$0x3FB2] =	sst s7  }
0x10: {  	[smem:$0x3FB3] =	sst s8  }
0x11: {  	[smem:$0x3FB4] =	sst s9;
	s0 =	simm.s32 @!p0 $0x0  }
0x12: {  	s1 =	sld [smem:$0x3F9A];
	s0 =	simm.s32 @p0 $0x1  }
0x13: {  	[smem:$0x3FB5] =	sst s0;
	s0 =	simm.s32 @!p1 $0x0  }
0x14: {  	s2 =	sld [smem:$0x3F99];
	s0 =	simm.s32 @p1 $0x1  }
0x15: {  	[smem:$0x3FB6] =	sst s0;
	s0 =	simm.s32 @!p2 $0x0  }
0x16: {  	s3 =	sld [smem:$0x3FDB];
	s0 =	simm.s32 @p2 $0x1  }
0x17: {  	s4 =	simm.s32 $0x1BF5;
	[smem:$0x3FB8] =	sst s0  }
0x18: {  	s0 =	sld [smem:$0x3F9B];
	_ =	swait.ge [sflag:s4], $0x0  }
0x19: {  	s7 =	sld [smem:$0x3F9C]  }
0x1a: {  	s8 =	sadd.s32 $0xFFFFE003, lr  }
0x1b: {  	s9 =	sadd.s32 $0xFFFFFEF7, lr;
	s5 =	simm.s32 $0xFFFFFFFF;
	p2 =	slt.u32 s8, $0xFFFFF086  }
0x1c: {  	p1 =	slt.u32 s9, $0xF7A;
	s5 =	simm.s32 @!p2 $0x0  }
0x1d: {  	s5 =	simm.s32 @p1 $0x1;
	p0 =	seq.s32 s7, s2  }
0x1e: {  	s7 =	smul.u32 @!p0 $0xF7A, s2;
	p2 =	seq.s32 @!p0 s5, $0x0  }
0x1f: {  	s9 =	smul.u32 $0xF7A, s1;
	s8 =	simm.s32 @!p0 $0x1BF5;
	p2 =	por !p2, p0  }
0x20: {  	[sflag:s8] =	ssyncset.s32 @!p0 $0xFFFFF086;
	s6 =	sadd.s32 @!p0 s3, s7;
	s7 =	simm.s32 @!p0 $0x108  }
0x21: {  	s3 =	sadd.s32 s3, s9;
	s6 =	sadd.s32 @!p0 $0x88, s6;
	s7 =	simm.s32 @p2 $0x1082  }
0x22: {  	[simem:s7], [sflag:s8] =	dma.local @!p0 [hbm:s6], $0xF7A  }
0x23: {  	s9 =	sor.u32 $0xD0000000, s2;
	s6 =	simm.s32 $0x108;
	_ =	swait.ge @!p0 [sflag:s8], $0x0  }
0x24: {  	s3 =	sadd.s32 $0x88, s3;
	s6 =	simm.s32 @!p1 $0x1082;
	[sflag:s4] =	ssyncset.s32 $0xFFFFF086  }
0x25: {  	[simem:s6], [sflag:s4] =	dma.local [hbm:s3], $0xF7A  }
0x26: {  	[smem:$0x3F9C] =	sst s1;
	(tag) =	ssettag s2;
	_ =	strace s9  }
0x27: {  	s1 =	sld [smem:$0x3FAC]  }
0x28: {  	s2 =	sld [smem:$0x3FAD]  }
0x29: {  	s4 =	sld [smem:$0x3FAF]  }
0x2a: {  	p0 =	seq.s32 s5, $0x0;
	s5 =	sld [smem:$0x3FB0]  }
0x2b: {  	s6 =	sld [smem:$0x3FB1]  }
0x2c: {  	s7 =	sld [smem:$0x3FB2]  }
0x2d: {  	s3 =	simm.s32 $0x108;
	s8 =	sld [smem:$0x3FB3]  }
0x2e: {  	s3 =	simm.s32 @!p0 $0x1082;
	s9 =	sld [smem:$0x3FB4]  }
0x2f: {  	lr =	sadd.s32 s0, s3;
	s0 =	sld [smem:$0x3FAB]  }
0x30: {  	s3 =	sld [smem:$0x3FAE]  }
0x31: {  	[smem:$0x3FB7] =	sst s10  }
0x32: {  	s10 =	sld [smem:$0x3FB5];
	_ =	sdelay $0x3  }
0x33: {  	p0 =	seq.s32 s10, $0x1;
	s10 =	sld [smem:$0x3FB7];
	_ =	sdelay $0x3  }
0x34: {  	[smem:$0x3FB7] =	sst s10  }
0x35: {  	s10 =	sld [smem:$0x3FB6];
	_ =	sdelay $0x3  }
0x36: {  	p1 =	seq.s32 s10, $0x1;
	s10 =	sld [smem:$0x3FB7];
	_ =	sdelay $0x3  }
0x37: {  	[smem:$0x3FB7] =	sst s10  }
0x38: {  	s10 =	sld [smem:$0x3FB8]  }
0x39: {  	_ = 	snop;
	(pc) =	sbr.ind lr, $3  }
0x3a: {  	_ = 	snop  }
0x3b: {  	_ = 	snop  }
0x3c: {  	p2 =	seq.s32 s10, $0x1;
	s10 =	sld [smem:$0x3FB7]  }
0x3d: {  	_ =	shalt  }
0x3e: {  	_ =	shalt  }
0x3f: {  	_ =	shalt  }
0x40: {  	_ =	shalt  }
0x41: {  	_ =	shalt  }
0x42: {  	_ =	shalt  }
0x43: {  	_ =	shalt  }
0x44: {  	_ =	shalt  }
0x45: {  	_ =	shalt  }
0x46: {  	_ =	shalt  }
0x47: {  	_ =	shalt  }
0x48: {  	_ =	shalt  }
0x49: {  	_ =	shalt  }
0x4a: {  	_ =	shalt  }
0x4b: {  	_ =	shalt  }
0x4c: {  	_ =	shalt  }
0x4d: {  	_ =	shalt  }
0x4e: {  	_ =	shalt  }
0x4f: {  	_ =	shalt  }
0x50: {  	_ =	shalt  }
0x51: {  	_ =	shalt  }
0x52: {  	_ =	shalt  }
0x53: {  	_ =	shalt  }
0x54: {  	_ =	shalt  }
0x55: {  	_ =	shalt  }
0x56: {  	_ =	shalt  }
0x57: {  	_ =	shalt  }
0x58: {  	_ =	shalt  }
0x59: {  	_ =	shalt  }
0x5a: {  	_ =	shalt  }
0x5b: {  	_ =	shalt  }
0x5c: {  	_ =	shalt  }
0x5d: {  	_ =	shalt  }
0x5e: {  	_ =	shalt  }
0x5f: {  	_ =	shalt  }
0x60: {  	_ =	shalt  }
0x61: {  	_ =	shalt  }
0x62: {  	_ =	shalt  }
0x63: {  	_ =	shalt  }
0x64: {  	_ =	shalt  }
0x65: {  	_ =	shalt  }
0x66: {  	_ =	shalt  }
0x67: {  	_ =	shalt  }
0x68: {  	_ =	shalt  }
0x69: {  	_ =	shalt  }
0x6a: {  	_ =	shalt  }
0x6b: {  	_ =	shalt  }
0x6c: {  	_ =	shalt  }
0x6d: {  	_ =	shalt  }
0x6e: {  	_ =	shalt  }
0x6f: {  	_ =	shalt  }
0x70: {  	_ =	shalt  }
0x71: {  	_ =	shalt  }
0x72: {  	_ =	shalt  }
0x73: {  	_ =	shalt  }
0x74: {  	_ =	shalt  }
0x75: {  	_ =	shalt  }
0x76: {  	_ =	shalt  }
0x77: {  	_ =	shalt  }
0x78: {  	_ =	shalt  }
0x79: {  	_ =	shalt  }
0x7a: {  	_ =	shalt  }
0x7b: {  	_ =	shalt  }
0x7c: {  	_ =	shalt  }
0x7d: {  	_ =	shalt  }
0x7e: {  	_ =	shalt  }
0x7f: {  	_ =	shalt  }
0x80: {  	_ =	shalt  }
0x81: {  	_ =	shalt  }
0x82: {  	_ =	shalt  }
0x83: {  	_ =	shalt  }
0x84: {  	_ =	shalt  }
0x85: {  	_ =	shalt  }
0x86: {  	_ =	shalt  }
0x87: {  	_ =	shalt  }
.Lfunc_end0:
.L_simem_size_0:
called_computation.1_lowered:
.L_overlay_start_0:
0x88: {  	s2 =	sld [smem:$0x3FD9]  }
0x89: {  	s3 =	sld [smem:$0x3FFE];
	_ =	sdelay $0x1  }
0x8a: {  	s1 =	srdreg.scid  }
0x8b: {  	s0 =	sand.u32 $0x1, s1  }
0x8c: {  	s17 =	sshll.u32 s0, $0xA;
	s2 =	sadd.s32 s3, s2  }
0x8d: {  	s2 =	sadd.s32 s2, s17  }
0x8e: {  	[smem:$0x3FC3] =	sst s2  }
0x8f: {  	_ = 	snop  }
0x90: {  	s2 =	sld [smem:$0x3FD0];
	(tm) =	ssettm $0x1  }
0x91: {  	s18 =	sld [smem:$0x3FFB];
	_ =	sdelay $0x3  }
0x92: {  	_ =	strace s18  }
0x93: {  	s3 =	sld [smem:$0x3FFC];
	_ =	sdelay $0x3  }
0x94: {  	_ =	strace s3  }
0x95: {  	s3 =	sld [smem:$0x3FFD];
	_ =	sdelay $0x3  }
0x96: {  	_ =	strace s3  }
0x97: {  	_ =	strace $0x8FFFFFFF  }
0x98: {  	s19 =	sld [smem:$0x3FDB];
	_ =	sdelay $0x1  }
0x99: {  	s4 =	simm.s32 $_scs_section_size  }
0x9a: {  	s5 =	simm.s32 $_size__tile_overlayer_lowered;
	s6 =	simm.s32 $_tile_overlayer_lowered  }
0x9b: {  	s22 =	simm.s32 $0x1BFF;
	s21 =	sshll.u32 s6, $0x1;
	s3 =	sadd.s32 s4, s19  }
0x9c: {  	s7 =	simm.s32 $0x0;
	s20 =	sshll.u32 s5, $0x1;
	s5 =	sadd.s32 s21, s3  }
0x9d: {  	[timem:s7], [sflag:s22] =	dma.local [hbm:s5], s20  }
0x9e: {  	_ =	swait.ge [sflag:s22], s20  }
0x9f: {  	s4 =	ssub.s32 $0x0, s20;
	[sflag:s22] =	ssyncset.done $0x0  }
0xa0: {  	[sflag:s22] =	ssyncadd.s32 s4;
	_ =	sdelay $0x1  }
0xa1: {  	s23 =	simm.s32 $0x1B8B  }
0xa2: {  	_ =	swait.ge [sflag:s23], $0x1  }
0xa3: {  	[sflag:s23] =	ssyncset.done $0x0  }
0xa4: {  	s25 =	simm.s32 $0x1B8E;
	s24 =	sld [smem:$0x3FFE];
	[sflag:s23] =	ssyncadd.s32 $0xFFFFFFFF  }
0xa5: {  	s26 =	simm.s32 $execute0_lowered;
	[smem:$0x3FD2] =	sst s25  }
0xa6: {  	s5 =	sshll.u32 s26, $0x1;
	_ =	strace $0x80000049;
	[dreg:$0x1] =	wrdreg $0xFFFFFFFF  }
0xa7: {  	s28 =	simm.s32 $_size_execute0_lowered;
	s3 =	sadd.s32 s3, s5;
	[dreg:$0x0] =	wrdreg $0x0  }
0xa8: {  	s5 =	sshll.u32 s28, $0x1;
	[dreg:$0x2] =	wrdreg s3  }
0xa9: {  	[dreg:$0x3] =	wrdreg s5  }
0xaa: {  	[dreg:$0x4] =	wrdreg $0xC0  }
0xab: {  	_ =	task [dreg:s7], $0x5FFFF  }
0xac: {  	[dreg:$0x1] =	wrdreg $0xFFFFFFFF  }
0xad: {  	[dreg:$0x0] =	wrdreg $0x60  }
0xae: {  	[dreg:$0x2] =	wrdreg s24  }
0xaf: {  	[dreg:$0x3] =	wrdreg s2  }
0xb0: {  	[dreg:$0x4] =	wrdreg $0x9  }
0xb1: {  	_ =	task.clear_ibuf [dreg:s7], $0x5FFFF;
	_ =	strace $0x90000049  }
0xb2: {  	s29 =	simm.s32 $0x9;
	_ =	strace $0x8000004B  }
0xb3: {  	_ =	swait.ge [sflag:s29], $0x1  }
0xb4: {  	[sflag:s29] =	ssyncadd.s32 $0xFFFFFFFF  }
0xb5: {  	_ =	strace $0x9000004B  }
0xb6: {  	_ =	sfence  }
0xb7: {  	s30 =	sld [smem:$0x0];
	_ =	sdelay $0x2  }
0xb8: {  	s31 =	sshll.u32 s1, $0xD;
	s1 =	sshrl.u32 s1, $0x2  }
0xb9: {  	s3 =	sand.u32 $0x4000, s31;
	s1 =	sadd.s32 s1, s30  }
0xba: {  	s0 =	sor.u32 s3, s0;
	s1 =	sshll.u32 s1, $0x11  }
0xbb: {  	s0 =	sor.u32 s1, s0  }
0xbc: {  	s0 =	sadd.s32 $0x8F2B, s0  }
0xbd: {  	[sflag:s0] =	ssyncadd.remote.s32 $0x1  }
0xbe: {  	_ =	sfence.sel $0xFFFF  }
0xbf: {  	[dreg:$0x0] =	wrdreg $0xFFFFFFFF;
	(pc) =	sbr.abs _section_cstart, $3  }
0xc0: {  	[dreg:$0x1] =	wrdreg $0xFFFFFFFF  }
0xc1: {  	_ =	task.clear_ibuf [dreg:s7], $0x2FFFF;
	_ =	strace $0x9FFFFFFF  }
0xc2: {  	(tm) =	ssettm $0x7FFFFFFF  }
0xc3: {  	_ =	shalt  }
tec
execute0_lowered:
.L_overlay_start_1:
0x0: {  	(tag) =	ssettag $0x1  }
0x1: {  	s0 =	rddreg [dreg:$0x0]  }
0x2: {  	s2 =	simm.s32 $0x0;
	s1 =	srdreg.scid;
	s3 =	stileid.u32  }
0x3: {  	s13 =	simm.s32 $0x9000;
	s14 =	simm.s32 $0xC00;
	s15 =	simm.s32 $0x1800  }
0x4: {  	s16 =	simm.s32 $0x600;
	s17 =	simm.s32 $0x1200;
	s18 =	simm.s32 $0x1E00  }
0x5: {  	s19 =	simm.s32 $0x1;
	s20 =	simm.s32 $0x3;
	s21 =	simm.s32 $0x2400  }
0x6: {  	s22 =	simm.s32 $0x3000;
	s23 =	simm.s32 $0x2;
	s24 =	simm.s32 $0x2A00  }
0x7: {  	v10 =	vlaneseq.u32;
	s25 =	simm.s32 $0x6000;
	s26 =	simm.s32 $0x4;
	s29 =	simm.s32 $0x100  }
0x8: {  	s30 =	simm.s32 $0x5;
	s31 =	simm.s32 $0x0;
	[smem:$0x7FF] =	sst s2;
	v0 =	vshrl.u32 v10, $0x3  }
0x9: {  	s4 =	sadd.s32 $0x60000, s0;
	s5 =	sadd.s32 $0xAE00, s0;
	s1 =	sand.u32 $0x1, s1;
	v10 =	vand.u32 $0x7, v10;
	v1 =	vmul.u32 $0x8, v0  }
.Ltmp0:
0xa: {  	s3 =	sshll.u32 s3, $0x1;
	s6 =	sadd.s32 $0x5C00, s0;
	v11 =	vor.u32 $0x2, v0;
	v12 =	vor.u32 $0x4, v0;
	v13 =	vor.u32 $0x6, v0;
	(pc) =	sbr.rel .LBB2_1-.Ltmp0, $4  }
0xb: {  	s7 =	sadd.s32 $0xA00, s0;
	s3 =	sor.u32 s1, s3;
	s1 =	ssub.s32 $0x2, s1;
	v14 =	vor.u32 $0x8, v0;
	v15 =	vor.u32 $0xA, v0;
	v16 =	vor.u32 $0xC, v0  }
0xc: {  	s9 =	sadd.s32 $0x5CC0, s0;
	s10 =	sadd.s32 $0xAC0, s0;
	v17 =	vor.u32 $0xE, v0;
	s8 =	sshrl.u32 s1, $0x1;
	v2 =	vmov s3;
	v3 =	vor.u32 $0x70, v1  }
0xd: {  	_ =	strace $0x8000004A;
	s11 =	sadd.s32 s3, s0;
	s1 =	ssub.s32 s1, s8;
	v4 =	vor.u32 $0x60, v1;
	v5 =	vor.u32 $0x50, v1;
	v6 =	vor.u32 $0x40, v1  }
0xe: {  	s8 =	sadd.s32 $0xAEC0, s0;
	s11 =	sadd.s32 $0xB0000, s11;
	v7 =	vor.u32 $0x30, v1;
	v8 =	vor.u32 $0x20, v1;
	v9 =	vor.u32 $0x10, v1;
	s12 =	smax.u32 s1, $0x1  }
.LBB2_16:
0xf: {  	s31 =	sadd.s32 $0x1, s31  }
0x10: {  	p0 =	sne.s32 s31, s12  }
.Ltmp1:
0x11: {  	s0 =	simm.s32 $0x8;
	(pc) =	sbr.rel @!p0 .LBB2_17-.Ltmp1, $4  }
0x12: {  	[hbm4b:s11+s0] =	stream.strided.scatter [tilespmem:s13], [sflag:$0x5], $0x14000, s29, s0, $0x38;
	[tilespmem:$0x1D000] =	vst v63  }
0x13: {  	_ =	swait.ge [sflag:s30], $0x14000  }
0x14: {  	[sflag:s30] =	ssyncset.done $0x0  }
0x15: {  	[sflag:s30] =	ssyncadd.s32 $0xFFFEC000  }
.LBB2_1:
0x16: {  	s0 =	rddreg [dreg:$0x1]  }
0x17: {  	[tilespmem:s13], [sflag:$0x3] =	stream.linear.gather [hbm4b:s0+s2], $0x14000, $0x38;
	[tilespmem:$0x1D000] =	vst v63  }
0x18: {  	_ = 	snop  }
0x19: {  	[tilespmem:s2], [sflag:$0x1] =	stream.linear.gather [hbm4b:s5+s2], $0x600, $0x38;
	[tilespmem:$0x1D000] =	vst v63  }
0x1a: {  	_ = 	snop  }
0x1b: {  	[tilespmem:s14], [sflag:$0x1] =	stream.linear.gather [hbm4b:s6+s2], $0x600, $0x38;
	[tilespmem:$0x1D000] =	vst v63  }
0x1c: {  	_ = 	snop  }
0x1d: {  	[tilespmem:s15], [sflag:$0x1] =	stream.linear.gather [hbm4b:s7+s2], $0x600, $0x38;
	[tilespmem:$0x1D000] =	vst v63  }
0x1e: {  	_ = 	snop  }
0x1f: {  	[tilespmem:s16], [sflag:$0x2] =	stream.linear.gather [hbm4b:s8+s2], $0x600, $0x38;
	[tilespmem:$0x1D000] =	vst v63  }
0x20: {  	_ = 	snop  }
0x21: {  	[tilespmem:s17], [sflag:$0x2] =	stream.linear.gather [hbm4b:s9+s2], $0x600, $0x38;
	[tilespmem:$0x1D000] =	vst v63  }
0x22: {  	_ = 	snop  }
0x23: {  	[tilespmem:s18], [sflag:$0x2] =	stream.linear.gather [hbm4b:s10+s2], $0x600, $0x38;
	[tilespmem:$0x1D000] =	vst v63  }
0x24: {  	_ =	swait.ge [sflag:s19], $0x600  }
0x25: {  	[sflag:s19] =	ssyncset.done $0x0  }
0x26: {  	[sflag:s19] =	ssyncadd.s32 $0xFFFFFA00  }
0x27: {  	_ =	swait.ge [sflag:s19], $0x600  }
0x28: {  	[sflag:s19] =	ssyncset.done $0x0  }
0x29: {  	[sflag:s19] =	ssyncadd.s32 $0xFFFFFA00  }
0x2a: {  	_ =	swait.ge [sflag:s19], $0x600  }
0x2b: {  	[sflag:s19] =	ssyncset.done $0x0  }
0x2c: {  	s28 =	simm.s32 $0x20;
	[sflag:s19] =	ssyncadd.s32 $0xFFFFFA00  }
0x2d: {  	v18 =	vld [tilespmem:s28+$0xFFFFFFE0]  }
0x2e: {  	v21 =	vld [tilespmem:s28+$0x0]  }
0x2f: {  	v20 =	vld [tilespmem:s28+$0x10]  }
0x30: {  	v22 =	vld [tilespmem:s28+$0xFFFFFFF0];
	_ =	sdelay $0x1  }
0x31: {  	s1 =	simm.s32 $0x60;
	v18 =	vshll.u32 v18, $0x5  }
0x32: {  	s0 =	simm.s32 $0x2420;
	v19 =	vld [tilespmem:s1+$0xFFFFFFE0];
	v21 =	vshll.u32 v21, $0x5;
	v23 =	vor.u32 v2, v18  }
0x33: {  	v20 =	vshll.u32 v20, $0x5;
	v18 =	vld [tilespmem:s1+$0x10];
	v24 =	vor.u32 v2, v21;
	[tilespmem:s0+$0xFFFFFFE0] =	vst v23  }
0x34: {  	v22 =	vshll.u32 v22, $0x5;
	v21 =	vld [tilespmem:s1+$0xFFFFFFF0];
	v23 =	vor.u32 v2, v20;
	[tilespmem:s0+$0x0] =	vst v24  }
0x35: {  	s3 =	simm.s32 $0x4;
	v22 =	vor.u32 v2, v22;
	v20 =	vld [tilespmem:s1+$0x0];
	[tilespmem:s0+$0x10] =	vst v23  }
.LBB2_2:
0x36: {  	s3 =	sadd.s32 $0x4, s3  }
0x37: {  	[tilespmem:s0+$0xFFFFFFF0] =	vst v22;
	s0 =	sadd.s32 $0x40, s0;
	p0 =	slt.u32 s3, $0x5C  }
.Ltmp2:
0x38: {  	s1 =	sadd.s32 $0x40, s1;
	v22 =	vshll.u32 v19, $0x5;
	(pc) =	sbr.rel @p0 .LBB2_2-.Ltmp2, $4  }
0x39: {  	v19 =	vld [tilespmem:s1+$0xFFFFFFE0];
	v22 =	vor.u32 v2, v22;
	v23 =	vshll.u32 v18, $0x5  }
0x3a: {  	v18 =	vld [tilespmem:s1+$0x10];
	[tilespmem:s0+$0xFFFFFFE0] =	vst v22;
	v22 =	vshll.u32 v20, $0x5;
	v23 =	vor.u32 v2, v23  }
0x3b: {  	v20 =	vld [tilespmem:s1+$0x0];
	v24 =	vshll.u32 v21, $0x5;
	v25 =	vor.u32 v2, v22;
	[tilespmem:s0+$0x10] =	vst v23  }
0x3c: {  	v21 =	vld [tilespmem:s1+$0xFFFFFFF0];
	v22 =	vor.u32 v2, v24;
	[tilespmem:s0+$0x0] =	vst v25  }
0x3d: {  	_ = 	snop  }
0x3e: {  	v19 =	vshll.u32 v19, $0x5  }
0x3f: {  	[tilespmem:s0+$0xFFFFFFF0] =	vst v22;
	s28 =	sadd.s32 $0x40, s0;
	v19 =	vor.u32 v2, v19;
	v18 =	vshll.u32 v18, $0x5  }
0x40: {  	[tilespmem:s28+$0xFFFFFFE0] =	vst v19;
	v19 =	vshll.u32 v20, $0x5;
	v18 =	vor.u32 v2, v18  }
0x41: {  	v63 =	vshll.u32 v21, $0x5;
	v19 =	vor.u32 v2, v19;
	[tilespmem:s28+$0x10] =	vst v18  }
0x42: {  	v18 =	vor.u32 v2, v63;
	[tilespmem:s28+$0x0] =	vst v19  }
0x43: {  	[tilespmem:s28+$0xFFFFFFF0] =	vst v18  }
0x44: {  	_ =	swait.ge [sflag:s20], $0x14000  }
0x45: {  	[sflag:s20] =	ssyncset.done $0x0  }
0x46: {  	s0 =	simm.s32 $0x0;
	[sflag:s20] =	ssyncadd.s32 $0xFFFEC000  }
0x47: {  	[tilespmem:s22], [sflag:$0x3] =	stream.indirect.gather [hbm4b:s4+s16], $0x8, s21, s16, $0xb8;
	[tilespmem:$0x1D000] =	vst v63  }
.LBB2_4:
0x48: {  	_ =	swait.ge [sflag:s23], $0x600  }
0x49: {  	[sflag:s23] =	ssyncset.done $0x0  }
0x4a: {  	[sflag:s23] =	ssyncadd.s32 $0xFFFFFA00  }
0x4b: {  	_ =	swait.ge [sflag:s23], $0x600  }
0x4c: {  	[sflag:s23] =	ssyncset.done $0x0  }
0x4d: {  	[sflag:s23] =	ssyncadd.s32 $0xFFFFFA00  }
0x4e: {  	_ =	swait.ge [sflag:s23], $0x600  }
0x4f: {  	[sflag:s23] =	ssyncset.done $0x0  }
0x50: {  	s1 =	simm.s32 $0x630;
	[sflag:s23] =	ssyncadd.s32 $0xFFFFFA00  }
0x51: {  	v18 =	vld [tilespmem:s1+$0xFFFFFFD0]  }
0x52: {  	v21 =	vld [tilespmem:s1+$0xFFFFFFF0]  }
0x53: {  	v20 =	vld [tilespmem:s1+$0x0]  }
0x54: {  	v22 =	vld [tilespmem:s1+$0xFFFFFFE0];
	_ =	sdelay $0x1  }
0x55: {  	s3 =	simm.s32 $0x670;
	v18 =	vshll.u32 v18, $0x5  }
0x56: {  	s1 =	simm.s32 $0x2A30;
	v19 =	vld [tilespmem:s3+$0xFFFFFFD0];
	v21 =	vshll.u32 v21, $0x5;
	v23 =	vor.u32 v2, v18  }
0x57: {  	v20 =	vshll.u32 v20, $0x5;
	v18 =	vld [tilespmem:s3+$0x0];
	v24 =	vor.u32 v2, v21;
	[tilespmem:s1+$0xFFFFFFD0] =	vst v23  }
0x58: {  	v22 =	vshll.u32 v22, $0x5;
	v21 =	vld [tilespmem:s3+$0xFFFFFFE0];
	v23 =	vor.u32 v2, v20;
	[tilespmem:s1+$0xFFFFFFF0] =	vst v24  }
0x59: {  	s28 =	simm.s32 $0x4;
	v22 =	vor.u32 v2, v22;
	v20 =	vld [tilespmem:s3+$0xFFFFFFF0];
	[tilespmem:s1+$0x0] =	vst v23  }
.LBB2_5:
0x5a: {  	s28 =	sadd.s32 $0x4, s28  }
0x5b: {  	[tilespmem:s1+$0xFFFFFFE0] =	vst v22;
	s1 =	sadd.s32 $0x40, s1;
	p0 =	slt.u32 s28, $0x5C  }
.Ltmp3:
0x5c: {  	s3 =	sadd.s32 $0x40, s3;
	v22 =	vshll.u32 v19, $0x5;
	(pc) =	sbr.rel @p0 .LBB2_5-.Ltmp3, $4  }
0x5d: {  	v19 =	vld [tilespmem:s3+$0xFFFFFFD0];
	v22 =	vor.u32 v2, v22;
	v23 =	vshll.u32 v18, $0x5  }
0x5e: {  	v18 =	vld [tilespmem:s3+$0x0];
	[tilespmem:s1+$0xFFFFFFD0] =	vst v22;
	v22 =	vshll.u32 v20, $0x5;
	v23 =	vor.u32 v2, v23  }
0x5f: {  	v20 =	vld [tilespmem:s3+$0xFFFFFFF0];
	v24 =	vshll.u32 v21, $0x5;
	v25 =	vor.u32 v2, v22;
	[tilespmem:s1+$0x0] =	vst v23  }
0x60: {  	v21 =	vld [tilespmem:s3+$0xFFFFFFE0];
	v22 =	vor.u32 v2, v24;
	[tilespmem:s1+$0xFFFFFFF0] =	vst v25  }
0x61: {  	_ = 	snop  }
0x62: {  	v19 =	vshll.u32 v19, $0x5  }
0x63: {  	[tilespmem:s1+$0xFFFFFFE0] =	vst v22;
	s3 =	sadd.s32 $0x40, s1;
	v19 =	vor.u32 v2, v19;
	v18 =	vshll.u32 v18, $0x5  }
0x64: {  	[tilespmem:s3+$0xFFFFFFD0] =	vst v19;
	v19 =	vshll.u32 v20, $0x5;
	v18 =	vor.u32 v2, v18  }
0x65: {  	v20 =	vshll.u32 v21, $0x5;
	v19 =	vor.u32 v2, v19;
	[tilespmem:s3+$0x0] =	vst v18  }
0x66: {  	v18 =	vor.u32 v2, v20;
	[tilespmem:s3+$0xFFFFFFF0] =	vst v19  }
0x67: {  	[tilespmem:s3+$0xFFFFFFE0] =	vst v18  }
0x68: {  	[tilespmem:s25], [sflag:$0x4] =	stream.indirect.gather [hbm4b:s4+s16], $0x8, s24, s16, $0xb8;
	[tilespmem:$0x1D000] =	vst v63  }
0x69: {  	s3 =	simm.s32 $0x0;
	_ =	swait.ge [sflag:s20], $0x3000  }
0x6a: {  	v18 =	vmov s3;
	[sflag:s20] =	ssyncset.done $0x0  }
0x6b: {  	s3 =	simm.s32 $0xC00;
	v24 =	vshll.u32 v18, $0x3;
	[sflag:s20] =	ssyncadd.s32 $0xFFFFD000  }
0x6c: {  	v18 =	vor.u32 v1, v24;
	v19 =	vld [tilespmem:s3+$0x0]  }
0x6d: {  	v20 =	vor.u32 v10, v18;
	_ =	sdelay $0x1  }
0x6e: {  	s3 =	simm.s32 $0x1800  }
0x6f: {  	v18 =	vld [tilespmem:s3+$0x0]  }
0x70: {  	v21 =	vperm.xlane v19, v0  }
0x71: {  	v20 =	vld.idx.msk [tilespmem:v20+s22+$0x0], $0xffff  }
0x72: {  	v21 =	vshll.u32 v21, $0x3  }
0x73: {  	v22 =	vor.u32 v9, v24;
	v21 =	vor.u32 v10, v21  }
0x74: {  	v22 =	vor.u32 v10, v22;
	v23 =	vperm.xlane v18, v0;
	_ =	sdelay $0x1  }
0x75: {  	v20 =	vmul.f32 v23, v20;
	_ =	sdelay $0x1  }
0x76: {  	[tilespmem:v21+s13+$0x0] =	vst.idx.add.f32.msk $0xffff, v20;
	v20 =	vperm.xlane v19, v11  }
0x77: {  	v23 =	vld.idx.msk [tilespmem:v22+s22+$0x0], $0xffff  }
0x78: {  	s3 =	simm.s32 $0x10;
	v20 =	vshll.u32 v20, $0x3  }
0x79: {  	v25 =	vor.u32 v8, v24;
	v21 =	vmov s3;
	v26 =	vor.u32 v10, v20  }
0x7a: {  	v25 =	vor.u32 v10, v25;
	s3 =	simm.s32 $0xC10;
	v22 =	vshll.u32 v21, $0x3;
	v20 =	vperm.xlane v18, v11  }
0x7b: {  	v21 =	vld [tilespmem:s3+$0x0];
	v27 =	vor.u32 v1, v22  }
0x7c: {  	s3 =	simm.s32 $0x1810;
	v27 =	vor.u32 v10, v27;
	v23 =	vmul.f32 v20, v23  }
0x7d: {  	v20 =	vld [tilespmem:s3+$0x0]  }
0x7e: {  	[tilespmem:v26+s13+$0x0] =	vst.idx.add.f32.msk $0xffff, v23;
	v23 =	vperm.xlane v19, v12  }
0x7f: {  	v25 =	vld.idx.msk [tilespmem:v25+s22+$0x0], $0xffff  }
0x80: {  	v26 =	vperm.xlane v21, v0;
	v23 =	vshll.u32 v23, $0x3  }
0x81: {  	v28 =	vor.u32 v7, v24;
	v27 =	vld.idx.msk [tilespmem:v27+s22+$0x0], $0xffff;
	v23 =	vor.u32 v10, v23  }
0x82: {  	v28 =	vor.u32 v10, v28;
	v29 =	vperm.xlane v18, v12;
	v26 =	vshll.u32 v26, $0x3  }
0x83: {  	v30 =	vor.u32 v9, v22;
	v26 =	vor.u32 v10, v26  }
0x84: {  	v31 =	vperm.xlane v20, v0;
	v25 =	vmul.f32 v29, v25;
	v29 =	vor.u32 v10, v30;
	_ =	sdelay $0x1  }
0x85: {  	v27 =	vmul.f32 v31, v27;
	[tilespmem:v23+s13+$0x0] =	vst.idx.add.f32.msk $0xffff, v25;
	v23 =	vperm.xlane v19, v13  }
0x86: {  	v25 =	vld.idx.msk [tilespmem:v28+s22+$0x0], $0xffff  }
0x87: {  	[tilespmem:v26+s13+$0x0] =	vst.idx.add.f32.msk $0xffff, v27;
	v27 =	vperm.xlane v21, v11;
	v23 =	vshll.u32 v23, $0x3  }
0x88: {  	v26 =	vor.u32 v6, v24;
	v23 =	vor.u32 v10, v23;
	v28 =	vld.idx.msk [tilespmem:v29+s22+$0x0], $0xffff  }
0x89: {  	v30 =	vor.u32 v10, v26;
	v27 =	vshll.u32 v27, $0x3;
	v29 =	vperm.xlane v18, v13  }
0x8a: {  	s3 =	simm.s32 $0x20;
	v32 =	vperm.xlane v20, v11;
	v31 =	vor.u32 v8, v22;
	v27 =	vor.u32 v10, v27  }
0x8b: {  	v31 =	vor.u32 v10, v31;
	v26 =	vmov s3;
	s3 =	simm.s32 $0xC20;
	v29 =	vmul.f32 v29, v25  }
0x8c: {  	v58 =	vperm.xlane v19, v14;
	v25 =	vshll.u32 v26, $0x3;
	v26 =	vld [tilespmem:s3+$0x0]  }
0x8d: {  	v33 =	vor.u32 v1, v25;
	[tilespmem:v23+s13+$0x0] =	vst.idx.add.f32.msk $0xffff, v29;
	v28 =	vmul.f32 v32, v28  }
0x8e: {  	v29 =	vor.u32 v10, v33;
	v30 =	vld.idx.msk [tilespmem:v30+s22+$0x0], $0xffff  }
0x8f: {  	[tilespmem:v27+s13+$0x0] =	vst.idx.add.f32.msk $0xffff, v28;
	v27 =	vshll.u32 v58, $0x3;
	v28 =	vperm.xlane v21, v12  }
0x90: {  	v59 =	vor.u32 v5, v24;
	s3 =	simm.s32 $0x1820;
	v31 =	vld.idx.msk [tilespmem:v31+s22+$0x0], $0xffff;
	v27 =	vor.u32 v10, v27  }
0x91: {  	v60 =	vperm.xlane v18, v14;
	v23 =	vld [tilespmem:s3+$0x0];
	v32 =	vor.u32 v10, v59;
	v28 =	vshll.u32 v28, $0x3  }
0x92: {  	v34 =	vperm.xlane v26, v0;
	v28 =	vor.u32 v10, v28  }
0x93: {  	v35 =	vor.u32 v7, v22;
	v62 =	vperm.xlane v20, v12;
	v29 =	vld.idx.msk [tilespmem:v29+s22+$0x0], $0xffff;
	v30 =	vmul.f32 v60, v30  }
0x94: {  	v36 =	vperm.xlane v19, v15;
	v35 =	vor.u32 v10, v35;
	v61 =	vshll.u32 v34, $0x3  }
0x95: {  	v33 =	vor.u32 v10, v61;
	[tilespmem:v27+s13+$0x0] =	vst.idx.add.f32.msk $0xffff, v30;
	v30 =	vmul.f32 v62, v31  }
0x96: {  	v27 =	vperm.xlane v23, v0;
	v31 =	vor.u32 v9, v25;
	v32 =	vld.idx.msk [tilespmem:v32+s22+$0x0], $0xffff  }
0x97: {  	v31 =	vor.u32 v10, v31;
	[tilespmem:v28+s13+$0x0] =	vst.idx.add.f32.msk $0xffff, v30;
	v28 =	vshll.u32 v36, $0x3  }
0x98: {  	v27 =	vmul.f32 v27, v29;
	v30 =	vperm.xlane v21, v13;
	v36 =	vor.u32 v10, v28  }
0x99: {  	v29 =	vor.u32 v4, v24;
	v35 =	vld.idx.msk [tilespmem:v35+s22+$0x0], $0xffff;
	v28 =	vperm.xlane v18, v15  }
0x9a: {  	v37 =	vperm.xlane v26, v11;
	v29 =	vor.u32 v10, v29;
	[tilespmem:v33+s13+$0x0] =	vst.idx.add.f32.msk $0xffff, v27;
	v27 =	vshll.u32 v30, $0x3  }
0x9b: {  	s1 =	simm.s32 $0x30;
	v30 =	vor.u32 v6, v22;
	v33 =	vor.u32 v10, v27;
	v27 =	vmul.f32 v28, v32  }
0x9c: {  	v34 =	vld.idx.msk [tilespmem:v31+s22+$0x0], $0xffff;
	v28 =	vmov s1;
	v31 =	vperm.xlane v20, v13;
	v32 =	vor.u32 v10, v30  }
0x9d: {  	v63 =	vor.u32 v8, v25;
	v30 =	vshll.u32 v37, $0x3;
	s1 =	simm.s32 $0xC30;
	v28 =	vshll.u32 v28, $0x3;
	[tilespmem:v36+s13+$0x0] =	vst.idx.add.f32.msk $0xffff, v27  }
0x9e: {  	v36 =	vor.u32 v10, v30;
	v35 =	vmul.f32 v31, v35;
	v31 =	vperm.xlane v19, v16;
	v27 =	vld [tilespmem:s1+$0x0]  }
0x9f: {  	s28 =	simm.s32 $0x40;
	v38 =	vperm.xlane v23, v11;
	v37 =	vor.u32 v10, v63;
	v30 =	vor.u32 v1, v28;
	v29 =	vld.idx.msk [tilespmem:v29+s22+$0x0], $0xffff  }
.LBB2_7:
0xa0: {  	p0 =	sne.s32 s28, $0x5F0;
	v30 =	vor.u32 v10, v30;
	[tilespmem:v33+s13+$0x0] =	vst.idx.add.f32.msk $0xffff, v35;
	v31 =	vshll.u32 v31, $0x3;
	v40 =	vor.u32 v3, v24  }
0xa1: {  	s3 =	sadd.s32 $0x10, s3;
	v33 =	vmul.f32 v38, v34;
	v32 =	vld.idx.msk [tilespmem:v32+s22+$0x0], $0xffff;
	v34 =	vperm.xlane v21, v14;
	v31 =	vor.u32 v10, v31  }
0xa2: {  	v24 =	vmovc v22;
	v22 =	vmovc v25;
	v25 =	vmov v28;
	v38 =	vperm.xlane v18, v16;
	v39 =	vor.u32 v10, v40;
	v35 =	vld [tilespmem:s3+$0x0]  }
0xa3: {  	[tilespmem:v36+s13+$0x0] =	vst.idx.add.f32.msk $0xffff, v33;
	v28 =	vshll.u32 v34, $0x3;
	v33 =	vor.u32 v5, v24  }
0xa4: {  	v36 =	vperm.xlane v26, v12;
	v29 =	vmul.f32 v38, v29;
	v34 =	vld.idx.msk [tilespmem:v37+s22+$0x0], $0xffff;
	v28 =	vor.u32 v10, v28  }
0xa5: {  	v38 =	vperm.xlane v20, v14;
	v37 =	vor.u32 v7, v22;
	v33 =	vor.u32 v10, v33;
	v30 =	vld.idx.msk [tilespmem:v30+s22+$0x0], $0xffff  }
0xa6: {  	v41 =	vor.u32 v9, v25;
	v40 =	vperm.xlane v27, v0;
	v36 =	vshll.u32 v36, $0x3;
	[tilespmem:v31+s13+$0x0] =	vst.idx.add.f32.msk $0xffff, v29  }
0xa7: {  	v29 =	vor.u32 v10, v36;
	v31 =	vmul.f32 v38, v32;
	v36 =	vperm.xlane v19, v17;
	v32 =	vld.idx.msk [tilespmem:v39+s22+$0x0], $0xffff  }
0xa8: {  	v37 =	vor.u32 v10, v37;
	v38 =	vshll.u32 v40, $0x3;
	v19 =	vmovc v21;
	v21 =	vmovc v26;
	v39 =	vperm.xlane v23, v12  }
0xa9: {  	v26 =	vor.u32 v10, v38;
	[tilespmem:v28+s13+$0x0] =	vst.idx.add.f32.msk $0xffff, v31;
	v28 =	vperm.xlane v19, v15;
	v31 =	vshll.u32 v36, $0x3  }
0xaa: {  	v36 =	vperm.xlane v35, v0;
	v34 =	vmul.f32 v39, v34;
	v38 =	vld.idx.msk [tilespmem:v33+s22+$0x0], $0xffff;
	v31 =	vor.u32 v10, v31  }
0xab: {  	v39 =	vperm.xlane v18, v17;
	v18 =	vmovc v20;
	v20 =	vmovc v23;
	v23 =	vmov v35;
	v33 =	vor.u32 v10, v41  }
0xac: {  	v30 =	vmul.f32 v36, v30;
	v28 =	vshll.u32 v28, $0x3;
	[tilespmem:v29+s13+$0x0] =	vst.idx.add.f32.msk $0xffff, v34;
	v29 =	vor.u32 v4, v24  }
0xad: {  	v34 =	vperm.xlane v21, v13;
	v36 =	vor.u32 v10, v28;
	v28 =	vmul.f32 v39, v32;
	v35 =	vld.idx.msk [tilespmem:v37+s22+$0x0], $0xffff  }
0xae: {  	v29 =	vor.u32 v10, v29;
	[tilespmem:v26+s13+$0x0] =	vst.idx.add.f32.msk $0xffff, v30;
	v30 =	vperm.xlane v18, v15;
	v26 =	vmov v27  }
0xaf: {  	v32 =	vor.u32 v6, v22;
	v27 =	vshll.u32 v34, $0x3;
	[tilespmem:v31+s13+$0x0] =	vst.idx.add.f32.msk $0xffff, v28  }
.Ltmp4:
0xb0: {  	v31 =	vperm.xlane v26, v11;
	v34 =	vld.idx.msk [tilespmem:v33+s22+$0x0], $0xffff;
	v33 =	vor.u32 v10, v27;
	v27 =	vmul.f32 v30, v38;
	(pc) =	sbr.rel @p0 .LBB2_7-.Ltmp4, $4  }
0xb1: {  	v32 =	vor.u32 v10, v32;
	v28 =	vmov s28;
	v30 =	vperm.xlane v20, v13  }
0xb2: {  	v37 =	vor.u32 v8, v25;
	v28 =	vshll.u32 v28, $0x3;
	v31 =	vshll.u32 v31, $0x3;
	[tilespmem:v36+s13+$0x0] =	vst.idx.add.f32.msk $0xffff, v27  }
0xb3: {  	s1 =	sadd.s32 $0x10, s1;
	v36 =	vor.u32 v10, v31;
	v35 =	vmul.f32 v30, v35;
	v31 =	vperm.xlane v19, v16;
	v29 =	vld.idx.msk [tilespmem:v29+s22+$0x0], $0xffff  }
0xb4: {  	v37 =	vor.u32 v10, v37;
	s28 =	sadd.s32 $0x10, s28;
	v38 =	vperm.xlane v23, v11;
	v30 =	vor.u32 v1, v28;
	v27 =	vld [tilespmem:s1+$0x0]  }
0xb5: {  	v39 =	vor.u32 v10, v30;
	_ =	sdelay $0x1  }
0xb6: {  	s1 =	sadd.s32 $0x10, s3  }
0xb7: {  	v30 =	vld [tilespmem:s1+$0x0]  }
0xb8: {  	v40 =	vperm.xlane v27, v0  }
0xb9: {  	v39 =	vld.idx.msk [tilespmem:v39+s22+$0x0], $0xffff  }
0xba: {  	v40 =	vshll.u32 v40, $0x3  }
0xbb: {  	v41 =	vor.u32 v9, v28;
	v40 =	vor.u32 v10, v40  }
0xbc: {  	v41 =	vor.u32 v10, v41;
	v42 =	vperm.xlane v30, v0;
	_ =	sdelay $0x1  }
0xbd: {  	v39 =	vmul.f32 v42, v39;
	_ =	sdelay $0x1  }
0xbe: {  	v44 =	vperm.xlane v27, v11;
	[tilespmem:v40+s13+$0x0] =	vst.idx.add.f32.msk $0xffff, v39  }
0xbf: {  	v40 =	vld.idx.msk [tilespmem:v41+s22+$0x0], $0xffff  }
0xc0: {  	v39 =	vshll.u32 v44, $0x3  }
0xc1: {  	v45 =	vor.u32 v8, v28;
	v39 =	vor.u32 v10, v39  }
0xc2: {  	v34 =	vmul.f32 v38, v34;
	v38 =	vor.u32 v10, v45;
	v46 =	vperm.xlane v30, v11;
	_ =	sdelay $0x1  }
0xc3: {  	v47 =	vperm.xlane v26, v12;
	[tilespmem:v36+s13+$0x0] =	vst.idx.add.f32.msk $0xffff, v34;
	v48 =	vmul.f32 v46, v40  }
0xc4: {  	v36 =	vld.idx.msk [tilespmem:v37+s22+$0x0], $0xffff  }
0xc5: {  	v34 =	vshll.u32 v47, $0x3;
	v50 =	vperm.xlane v27, v12;
	[tilespmem:v39+s13+$0x0] =	vst.idx.add.f32.msk $0xffff, v48  }
0xc6: {  	v49 =	vor.u32 v7, v25;
	v34 =	vor.u32 v10, v34;
	v38 =	vld.idx.msk [tilespmem:v38+s22+$0x0], $0xffff  }
0xc7: {  	v51 =	vperm.xlane v23, v12;
	v37 =	vshll.u32 v50, $0x3;
	v40 =	vor.u32 v10, v49  }
0xc8: {  	v52 =	vor.u32 v7, v28;
	v37 =	vor.u32 v10, v37  }
0xc9: {  	v53 =	vperm.xlane v30, v12;
	v36 =	vmul.f32 v51, v36;
	v39 =	vor.u32 v10, v52;
	_ =	sdelay $0x1  }
0xca: {  	v54 =	vperm.xlane v26, v13;
	[tilespmem:v34+s13+$0x0] =	vst.idx.add.f32.msk $0xffff, v36;
	v38 =	vmul.f32 v53, v38  }
0xcb: {  	v36 =	vld.idx.msk [tilespmem:v40+s22+$0x0], $0xffff  }
0xcc: {  	v57 =	vperm.xlane v27, v13;
	v34 =	vshll.u32 v54, $0x3;
	[tilespmem:v37+s13+$0x0] =	vst.idx.add.f32.msk $0xffff, v38  }
0xcd: {  	v56 =	vor.u32 v6, v25;
	v34 =	vor.u32 v10, v34;
	v39 =	vld.idx.msk [tilespmem:v39+s22+$0x0], $0xffff  }
0xce: {  	[tilespmem:v33+s13+$0x0] =	vst.idx.add.f32.msk $0xffff, v35;
	v58 =	vperm.xlane v23, v13;
	v35 =	vor.u32 v10, v56;
	v37 =	vshll.u32 v57, $0x3  }
0xcf: {  	v55 =	vperm.xlane v21, v14;
	v60 =	vor.u32 v6, v28;
	v37 =	vor.u32 v10, v37  }
0xd0: {  	v32 =	vld.idx.msk [tilespmem:v32+s22+$0x0], $0xffff;
	v61 =	vperm.xlane v30, v13;
	v36 =	vmul.f32 v58, v36;
	v38 =	vor.u32 v10, v60  }
0xd1: {  	v59 =	vor.u32 v5, v22;
	v63 =	vperm.xlane v26, v14;
	v33 =	vshll.u32 v55, $0x3  }
0xd2: {  	v33 =	vor.u32 v10, v33;
	[tilespmem:v34+s13+$0x0] =	vst.idx.add.f32.msk $0xffff, v36;
	v39 =	vmul.f32 v61, v39  }
0xd3: {  	v62 =	vperm.xlane v20, v14;
	v24 =	vor.u32 v3, v24;
	v45 =	vor.u32 v5, v25;
	v35 =	vld.idx.msk [tilespmem:v35+s22+$0x0], $0xffff  }
0xd4: {  	v43 =	vshll.u32 v63, $0x3;
	v44 =	vperm.xlane v27, v14;
	v40 =	vor.u32 v10, v59;
	[tilespmem:v37+s13+$0x0] =	vst.idx.add.f32.msk $0xffff, v39  }
0xd5: {  	v47 =	vperm.xlane v21, v15;
	v32 =	vmul.f32 v62, v32;
	v34 =	vor.u32 v10, v43;
	v38 =	vld.idx.msk [tilespmem:v38+s22+$0x0], $0xffff  }
0xd6: {  	v46 =	vperm.xlane v23, v14;
	v48 =	vor.u32 v10, v45;
	v36 =	vshll.u32 v44, $0x3  }
0xd7: {  	v31 =	vshll.u32 v31, $0x3;
	v50 =	vor.u32 v5, v28;
	[tilespmem:v33+s13+$0x0] =	vst.idx.add.f32.msk $0xffff, v32;
	v36 =	vor.u32 v10, v36  }
0xd8: {  	v51 =	vperm.xlane v30, v14;
	v35 =	vmul.f32 v46, v35;
	v39 =	vor.u32 v10, v50  }
0xd9: {  	v31 =	vor.u32 v10, v31;
	v24 =	vor.u32 v10, v24;
	v56 =	vperm.xlane v27, v15;
	v49 =	vld.idx.msk [tilespmem:v40+s22+$0x0], $0xffff  }
0xda: {  	v32 =	vshll.u32 v47, $0x3;
	v54 =	vperm.xlane v26, v15;
	[tilespmem:v34+s13+$0x0] =	vst.idx.add.f32.msk $0xffff, v35;
	v38 =	vmul.f32 v51, v38  }
0xdb: {  	v63 =	vperm.xlane v30, v15;
	v32 =	vor.u32 v10, v32;
	v52 =	vor.u32 v4, v22;
	v33 =	vld.idx.msk [tilespmem:v48+s22+$0x0], $0xffff  }
0xdc: {  	v55 =	vor.u32 v10, v52;
	v53 =	vperm.xlane v20, v15;
	v35 =	vshll.u32 v54, $0x3;
	[tilespmem:v36+s13+$0x0] =	vst.idx.add.f32.msk $0xffff, v38  }
0xdd: {  	v59 =	vperm.xlane v23, v15;
	v58 =	vor.u32 v4, v25;
	v35 =	vor.u32 v10, v35;
	v39 =	vld.idx.msk [tilespmem:v39+s22+$0x0], $0xffff  }
0xde: {  	v34 =	vmul.f32 v53, v49;
	v38 =	vor.u32 v10, v58;
	v36 =	vshll.u32 v56, $0x3  }
0xdf: {  	v57 =	vperm.xlane v21, v16;
	v61 =	vor.u32 v4, v28;
	v36 =	vor.u32 v10, v36  }
0xe0: {  	[tilespmem:v32+s13+$0x0] =	vst.idx.add.f32.msk $0xffff, v34;
	v34 =	vor.u32 v10, v61;
	v33 =	vmul.f32 v59, v33  }
0xe1: {  	v47 =	vor.u32 v3, v22;
	v45 =	vperm.xlane v26, v16;
	v44 =	vperm.xlane v18, v16;
	v62 =	vld.idx.msk [tilespmem:v55+s22+$0x0], $0xffff  }
0xe2: {  	v22 =	vor.u32 v10, v47;
	v60 =	vshll.u32 v57, $0x3;
	[tilespmem:v35+s13+$0x0] =	vst.idx.add.f32.msk $0xffff, v33;
	v46 =	vmul.f32 v63, v39  }
0xe3: {  	v52 =	vperm.xlane v23, v16;
	v29 =	vmul.f32 v44, v29;
	v32 =	vor.u32 v10, v60;
	v38 =	vld.idx.msk [tilespmem:v38+s22+$0x0], $0xffff  }
0xe4: {  	v49 =	vperm.xlane v27, v16;
	v48 =	vperm.xlane v20, v16;
	v33 =	vshll.u32 v45, $0x3;
	[tilespmem:v36+s13+$0x0] =	vst.idx.add.f32.msk $0xffff, v46  }
0xe5: {  	v54 =	vor.u32 v3, v28;
	v51 =	vor.u32 v3, v25;
	v33 =	vor.u32 v10, v33;
	v34 =	vld.idx.msk [tilespmem:v34+s22+$0x0], $0xffff  }
0xe6: {  	[tilespmem:v31+s13+$0x0] =	vst.idx.add.f32.msk $0xffff, v29;
	v53 =	vshll.u32 v49, $0x3;
	v25 =	vor.u32 v10, v51;
	v50 =	vmul.f32 v48, v62  }
0xe7: {  	v24 =	vld.idx.msk [tilespmem:v24+s22+$0x0], $0xffff;
	v28 =	vor.u32 v10, v54;
	v31 =	vor.u32 v10, v53  }
0xe8: {  	v55 =	vperm.xlane v30, v16;
	[tilespmem:v32+s13+$0x0] =	vst.idx.add.f32.msk $0xffff, v50;
	v29 =	vmul.f32 v52, v38  }
0xe9: {  	v19 =	vperm.xlane v19, v17;
	v22 =	vld.idx.msk [tilespmem:v22+s22+$0x0], $0xffff  }
0xea: {  	v56 =	vperm.xlane v21, v17;
	[tilespmem:v33+s13+$0x0] =	vst.idx.add.f32.msk $0xffff, v29;
	v57 =	vmul.f32 v55, v34  }
0xeb: {  	v19 =	vshll.u32 v19, $0x3;
	v58 =	vperm.xlane v26, v17;
	v25 =	vld.idx.msk [tilespmem:v25+s22+$0x0], $0xffff  }
0xec: {  	v19 =	vor.u32 v10, v19;
	v59 =	vperm.xlane v27, v17;
	v21 =	vshll.u32 v56, $0x3;
	[tilespmem:v31+s13+$0x0] =	vst.idx.add.f32.msk $0xffff, v57  }
0xed: {  	v18 =	vperm.xlane v18, v17;
	v26 =	vshll.u32 v58, $0x3;
	v21 =	vor.u32 v10, v21;
	v28 =	vld.idx.msk [tilespmem:v28+s22+$0x0], $0xffff  }
0xee: {  	v60 =	vperm.xlane v20, v17;
	v27 =	vshll.u32 v59, $0x3;
	v26 =	vor.u32 v10, v26  }
0xef: {  	p0 =	seq.s32 s0, $0x35;
	v18 =	vmul.f32 v18, v24;
	v61 =	vperm.xlane v23, v17;
	v62 =	vor.u32 v10, v27  }
.Ltmp5:
0xf0: {  	v63 =	vperm.xlane v30, v17;
	v20 =	vmul.f32 v60, v22;
	(pc) =	sbr.rel @p0 .LBB2_12-.Ltmp5, $4  }
0xf1: {  	[tilespmem:v19+s13+$0x0] =	vst.idx.add.f32.msk $0xffff, v18;
	v18 =	vmul.f32 v61, v25  }
0xf2: {  	[tilespmem:v21+s13+$0x0] =	vst.idx.add.f32.msk $0xffff, v20;
	v19 =	vmul.f32 v63, v28  }
0xf3: {  	[tilespmem:v26+s13+$0x0] =	vst.idx.add.f32.msk $0xffff, v18  }
0xf4: {  	[tilespmem:v62+s13+$0x0] =	vst.idx.add.f32.msk $0xffff, v19  }
0xf5: {  	s1 =	smul.u32 $0xC00, s0;
	_ =	sdelay $0x1  }
0xf6: {  	s1 =	sshrl.u32 s1, $0x3  }
0xf7: {  	s1 =	sadd.s32 $0x180, s1  }
0xf8: {  	s3 =	sadd.s32 s5, s1  }
0xf9: {  	[tilespmem:s2], [sflag:$0x1] =	stream.linear.gather [hbm4b:s3+s2], $0x600, $0x38;
	[tilespmem:$0x1D000] =	vst v63  }
0xfa: {  	s3 =	sadd.s32 s6, s1  }
0xfb: {  	[tilespmem:s14], [sflag:$0x1] =	stream.linear.gather [hbm4b:s3+s2], $0x600, $0x38;
	[tilespmem:$0x1D000] =	vst v63  }
0xfc: {  	s1 =	sadd.s32 s7, s1  }
0xfd: {  	[tilespmem:s15], [sflag:$0x1] =	stream.linear.gather [hbm4b:s1+s2], $0x600, $0x38;
	[tilespmem:$0x1D000] =	vst v63  }
0xfe: {  	_ =	swait.ge [sflag:s19], $0x600  }
0xff: {  	[sflag:s19] =	ssyncset.done $0x0  }
0x100: {  	[sflag:s19] =	ssyncadd.s32 $0xFFFFFA00  }
0x101: {  	_ =	swait.ge [sflag:s19], $0x600  }
0x102: {  	[sflag:s19] =	ssyncset.done $0x0  }
0x103: {  	[sflag:s19] =	ssyncadd.s32 $0xFFFFFA00  }
0x104: {  	_ =	swait.ge [sflag:s19], $0x600  }
0x105: {  	[sflag:s19] =	ssyncset.done $0x0  }
0x106: {  	s3 =	simm.s32 $0x20;
	[sflag:s19] =	ssyncadd.s32 $0xFFFFFA00  }
0x107: {  	v18 =	vld [tilespmem:s3+$0xFFFFFFE0]  }
0x108: {  	v21 =	vld [tilespmem:s3+$0x0]  }
0x109: {  	v20 =	vld [tilespmem:s3+$0x10]  }
0x10a: {  	v22 =	vld [tilespmem:s3+$0xFFFFFFF0];
	_ =	sdelay $0x1  }
0x10b: {  	s3 =	simm.s32 $0x60;
	v18 =	vshll.u32 v18, $0x5  }
0x10c: {  	s1 =	simm.s32 $0x2420;
	v19 =	vld [tilespmem:s3+$0xFFFFFFE0];
	v21 =	vshll.u32 v21, $0x5;
	v23 =	vor.u32 v2, v18  }
0x10d: {  	v20 =	vshll.u32 v20, $0x5;
	v18 =	vld [tilespmem:s3+$0x10];
	v24 =	vor.u32 v2, v21;
	[tilespmem:s1+$0xFFFFFFE0] =	vst v23  }
0x10e: {  	v22 =	vshll.u32 v22, $0x5;
	v21 =	vld [tilespmem:s3+$0xFFFFFFF0];
	v23 =	vor.u32 v2, v20;
	[tilespmem:s1+$0x0] =	vst v24  }
0x10f: {  	s28 =	simm.s32 $0x4;
	v22 =	vor.u32 v2, v22;
	v20 =	vld [tilespmem:s3+$0x0];
	[tilespmem:s1+$0x10] =	vst v23  }
.LBB2_10:
0x110: {  	s28 =	sadd.s32 $0x4, s28  }
0x111: {  	[tilespmem:s1+$0xFFFFFFF0] =	vst v22;
	s1 =	sadd.s32 $0x40, s1;
	p1 =	slt.u32 s28, $0x5C  }
.Ltmp6:
0x112: {  	s3 =	sadd.s32 $0x40, s3;
	v22 =	vshll.u32 v19, $0x5;
	(pc) =	sbr.rel @p1 .LBB2_10-.Ltmp6, $4  }
0x113: {  	v19 =	vld [tilespmem:s3+$0xFFFFFFE0];
	v22 =	vor.u32 v2, v22;
	v23 =	vshll.u32 v18, $0x5  }
0x114: {  	v18 =	vld [tilespmem:s3+$0x10];
	[tilespmem:s1+$0xFFFFFFE0] =	vst v22;
	v22 =	vshll.u32 v20, $0x5;
	v23 =	vor.u32 v2, v23  }
0x115: {  	v20 =	vld [tilespmem:s3+$0x0];
	v24 =	vshll.u32 v21, $0x5;
	v25 =	vor.u32 v2, v22;
	[tilespmem:s1+$0x10] =	vst v23  }
0x116: {  	v21 =	vld [tilespmem:s3+$0xFFFFFFF0];
	v22 =	vor.u32 v2, v24;
	[tilespmem:s1+$0x0] =	vst v25  }
0x117: {  	_ = 	snop  }
0x118: {  	v19 =	vshll.u32 v19, $0x5  }
0x119: {  	[tilespmem:s1+$0xFFFFFFF0] =	vst v22;
	s28 =	sadd.s32 $0x40, s1;
	v19 =	vor.u32 v2, v19;
	v18 =	vshll.u32 v18, $0x5  }
0x11a: {  	[tilespmem:s28+$0xFFFFFFE0] =	vst v19;
	v19 =	vshll.u32 v20, $0x5;
	v18 =	vor.u32 v2, v18  }
0x11b: {  	v63 =	vshll.u32 v21, $0x5;
	v19 =	vor.u32 v2, v19;
	[tilespmem:s28+$0x10] =	vst v18  }
0x11c: {  	v18 =	vor.u32 v2, v63;
	[tilespmem:s28+$0x0] =	vst v19  }
0x11d: {  	[tilespmem:s28+$0xFFFFFFF0] =	vst v18  }
0x11e: {  	[tilespmem:s22], [sflag:$0x3] =	stream.indirect.gather [hbm4b:s4+s16], $0x8, s21, s16, $0xb8;
	[tilespmem:$0x1D000] =	vst v63  }
.LBB2_12:
0x11f: {  	_ =	swait.ge [sflag:s26], $0x3000;
	s1 =	simm.s32 $0x0  }
0x120: {  	[sflag:s26] =	ssyncset.done $0x0;
	v18 =	vmov s1  }
0x121: {  	s3 =	simm.s32 $0x1200;
	[sflag:s26] =	ssyncadd.s32 $0xFFFFD000;
	v24 =	vshll.u32 v18, $0x3  }
0x122: {  	v19 =	vld [tilespmem:s3+$0x0];
	v18 =	vor.u32 v1, v24  }
0x123: {  	v20 =	vor.u32 v10, v18;
	_ =	sdelay $0x1  }
0x124: {  	s3 =	simm.s32 $0x1E00  }
0x125: {  	v18 =	vld [tilespmem:s3+$0x0]  }
0x126: {  	v21 =	vperm.xlane v19, v0  }
0x127: {  	v20 =	vld.idx.msk [tilespmem:v20+s25+$0x0], $0xffff  }
0x128: {  	v21 =	vshll.u32 v21, $0x3  }
0x129: {  	v22 =	vor.u32 v9, v24;
	v21 =	vor.u32 v10, v21  }
0x12a: {  	v22 =	vor.u32 v10, v22;
	v23 =	vperm.xlane v18, v0;
	_ =	sdelay $0x1  }
0x12b: {  	v20 =	vmul.f32 v23, v20;
	_ =	sdelay $0x1  }
0x12c: {  	[tilespmem:v21+s13+$0x0] =	vst.idx.add.f32.msk $0xffff, v20;
	v20 =	vperm.xlane v19, v11  }
0x12d: {  	v23 =	vld.idx.msk [tilespmem:v22+s25+$0x0], $0xffff  }
0x12e: {  	s3 =	simm.s32 $0x10;
	v20 =	vshll.u32 v20, $0x3  }
0x12f: {  	v25 =	vor.u32 v8, v24;
	v21 =	vmov s3;
	v26 =	vor.u32 v10, v20  }
0x130: {  	v25 =	vor.u32 v10, v25;
	s3 =	simm.s32 $0x1210;
	v22 =	vshll.u32 v21, $0x3;
	v20 =	vperm.xlane v18, v11  }
0x131: {  	v21 =	vld [tilespmem:s3+$0x0];
	v27 =	vor.u32 v1, v22  }
0x132: {  	s3 =	simm.s32 $0x1E10;
	v27 =	vor.u32 v10, v27;
	v23 =	vmul.f32 v20, v23  }
0x133: {  	v20 =	vld [tilespmem:s3+$0x0]  }
0x134: {  	[tilespmem:v26+s13+$0x0] =	vst.idx.add.f32.msk $0xffff, v23;
	v23 =	vperm.xlane v19, v12  }
0x135: {  	v25 =	vld.idx.msk [tilespmem:v25+s25+$0x0], $0xffff  }
0x136: {  	v26 =	vperm.xlane v21, v0;
	v23 =	vshll.u32 v23, $0x3  }
0x137: {  	v28 =	vor.u32 v7, v24;
	v27 =	vld.idx.msk [tilespmem:v27+s25+$0x0], $0xffff;
	v23 =	vor.u32 v10, v23  }
0x138: {  	v28 =	vor.u32 v10, v28;
	v29 =	vperm.xlane v18, v12;
	v26 =	vshll.u32 v26, $0x3  }
0x139: {  	v30 =	vor.u32 v9, v22;
	v26 =	vor.u32 v10, v26  }
0x13a: {  	v31 =	vperm.xlane v20, v0;
	v25 =	vmul.f32 v29, v25;
	v29 =	vor.u32 v10, v30;
	_ =	sdelay $0x1  }
0x13b: {  	v27 =	vmul.f32 v31, v27;
	[tilespmem:v23+s13+$0x0] =	vst.idx.add.f32.msk $0xffff, v25;
	v23 =	vperm.xlane v19, v13  }
0x13c: {  	v25 =	vld.idx.msk [tilespmem:v28+s25+$0x0], $0xffff  }
0x13d: {  	[tilespmem:v26+s13+$0x0] =	vst.idx.add.f32.msk $0xffff, v27;
	v27 =	vperm.xlane v21, v11;
	v23 =	vshll.u32 v23, $0x3  }
0x13e: {  	v26 =	vor.u32 v6, v24;
	v23 =	vor.u32 v10, v23;
	v28 =	vld.idx.msk [tilespmem:v29+s25+$0x0], $0xffff  }
0x13f: {  	v30 =	vor.u32 v10, v26;
	v27 =	vshll.u32 v27, $0x3;
	v29 =	vperm.xlane v18, v13  }
0x140: {  	s3 =	simm.s32 $0x20;
	v32 =	vperm.xlane v20, v11;
	v31 =	vor.u32 v8, v22;
	v27 =	vor.u32 v10, v27  }
0x141: {  	v31 =	vor.u32 v10, v31;
	v26 =	vmov s3;
	s3 =	simm.s32 $0x1220;
	v29 =	vmul.f32 v29, v25  }
0x142: {  	v58 =	vperm.xlane v19, v14;
	v25 =	vshll.u32 v26, $0x3;
	v26 =	vld [tilespmem:s3+$0x0]  }
0x143: {  	v33 =	vor.u32 v1, v25;
	[tilespmem:v23+s13+$0x0] =	vst.idx.add.f32.msk $0xffff, v29;
	v28 =	vmul.f32 v32, v28  }
0x144: {  	v29 =	vor.u32 v10, v33;
	v30 =	vld.idx.msk [tilespmem:v30+s25+$0x0], $0xffff  }
0x145: {  	[tilespmem:v27+s13+$0x0] =	vst.idx.add.f32.msk $0xffff, v28;
	v27 =	vshll.u32 v58, $0x3;
	v28 =	vperm.xlane v21, v12  }
0x146: {  	v59 =	vor.u32 v5, v24;
	s3 =	simm.s32 $0x1E20;
	v31 =	vld.idx.msk [tilespmem:v31+s25+$0x0], $0xffff;
	v27 =	vor.u32 v10, v27  }
0x147: {  	v60 =	vperm.xlane v18, v14;
	v23 =	vld [tilespmem:s3+$0x0];
	v32 =	vor.u32 v10, v59;
	v28 =	vshll.u32 v28, $0x3  }
0x148: {  	v34 =	vperm.xlane v26, v0;
	v28 =	vor.u32 v10, v28  }
0x149: {  	v35 =	vor.u32 v7, v22;
	v62 =	vperm.xlane v20, v12;
	v29 =	vld.idx.msk [tilespmem:v29+s25+$0x0], $0xffff;
	v30 =	vmul.f32 v60, v30  }
0x14a: {  	v36 =	vperm.xlane v19, v15;
	v35 =	vor.u32 v10, v35;
	v61 =	vshll.u32 v34, $0x3  }
0x14b: {  	v33 =	vor.u32 v10, v61;
	[tilespmem:v27+s13+$0x0] =	vst.idx.add.f32.msk $0xffff, v30;
	v30 =	vmul.f32 v62, v31  }
0x14c: {  	v27 =	vperm.xlane v23, v0;
	v31 =	vor.u32 v9, v25;
	v32 =	vld.idx.msk [tilespmem:v32+s25+$0x0], $0xffff  }
0x14d: {  	v31 =	vor.u32 v10, v31;
	[tilespmem:v28+s13+$0x0] =	vst.idx.add.f32.msk $0xffff, v30;
	v28 =	vshll.u32 v36, $0x3  }
0x14e: {  	v27 =	vmul.f32 v27, v29;
	v30 =	vperm.xlane v21, v13;
	v36 =	vor.u32 v10, v28  }
0x14f: {  	v29 =	vor.u32 v4, v24;
	v35 =	vld.idx.msk [tilespmem:v35+s25+$0x0], $0xffff;
	v28 =	vperm.xlane v18, v15  }
0x150: {  	v37 =	vperm.xlane v26, v11;
	v29 =	vor.u32 v10, v29;
	[tilespmem:v33+s13+$0x0] =	vst.idx.add.f32.msk $0xffff, v27;
	v27 =	vshll.u32 v30, $0x3  }
0x151: {  	s1 =	simm.s32 $0x30;
	v30 =	vor.u32 v6, v22;
	v33 =	vor.u32 v10, v27;
	v27 =	vmul.f32 v28, v32  }
0x152: {  	v34 =	vld.idx.msk [tilespmem:v31+s25+$0x0], $0xffff;
	v28 =	vmov s1;
	v31 =	vperm.xlane v20, v13;
	v32 =	vor.u32 v10, v30  }
0x153: {  	v63 =	vor.u32 v8, v25;
	v30 =	vshll.u32 v37, $0x3;
	s1 =	simm.s32 $0x1230;
	v28 =	vshll.u32 v28, $0x3;
	[tilespmem:v36+s13+$0x0] =	vst.idx.add.f32.msk $0xffff, v27  }
0x154: {  	v36 =	vor.u32 v10, v30;
	v35 =	vmul.f32 v31, v35;
	v31 =	vperm.xlane v19, v16;
	v27 =	vld [tilespmem:s1+$0x0]  }
0x155: {  	s28 =	simm.s32 $0x40;
	v38 =	vperm.xlane v23, v11;
	v37 =	vor.u32 v10, v63;
	v30 =	vor.u32 v1, v28;
	v29 =	vld.idx.msk [tilespmem:v29+s25+$0x0], $0xffff  }
.LBB2_13:
0x156: {  	p1 =	sne.s32 s28, $0x5F0;
	v30 =	vor.u32 v10, v30;
	[tilespmem:v33+s13+$0x0] =	vst.idx.add.f32.msk $0xffff, v35;
	v31 =	vshll.u32 v31, $0x3;
	v40 =	vor.u32 v3, v24  }
0x157: {  	s3 =	sadd.s32 $0x10, s3;
	v33 =	vmul.f32 v38, v34;
	v32 =	vld.idx.msk [tilespmem:v32+s25+$0x0], $0xffff;
	v34 =	vperm.xlane v21, v14;
	v31 =	vor.u32 v10, v31  }
0x158: {  	v24 =	vmovc v22;
	v22 =	vmovc v25;
	v25 =	vmov v28;
	v38 =	vperm.xlane v18, v16;
	v39 =	vor.u32 v10, v40;
	v35 =	vld [tilespmem:s3+$0x0]  }
0x159: {  	[tilespmem:v36+s13+$0x0] =	vst.idx.add.f32.msk $0xffff, v33;
	v28 =	vshll.u32 v34, $0x3;
	v33 =	vor.u32 v5, v24  }
0x15a: {  	v36 =	vperm.xlane v26, v12;
	v29 =	vmul.f32 v38, v29;
	v34 =	vld.idx.msk [tilespmem:v37+s25+$0x0], $0xffff;
	v28 =	vor.u32 v10, v28  }
0x15b: {  	v38 =	vperm.xlane v20, v14;
	v37 =	vor.u32 v7, v22;
	v33 =	vor.u32 v10, v33;
	v30 =	vld.idx.msk [tilespmem:v30+s25+$0x0], $0xffff  }
0x15c: {  	v41 =	vor.u32 v9, v25;
	v40 =	vperm.xlane v27, v0;
	v36 =	vshll.u32 v36, $0x3;
	[tilespmem:v31+s13+$0x0] =	vst.idx.add.f32.msk $0xffff, v29  }
0x15d: {  	v29 =	vor.u32 v10, v36;
	v31 =	vmul.f32 v38, v32;
	v36 =	vperm.xlane v19, v17;
	v32 =	vld.idx.msk [tilespmem:v39+s25+$0x0], $0xffff  }
0x15e: {  	v37 =	vor.u32 v10, v37;
	v38 =	vshll.u32 v40, $0x3;
	v19 =	vmovc v21;
	v21 =	vmovc v26;
	v39 =	vperm.xlane v23, v12  }
0x15f: {  	v26 =	vor.u32 v10, v38;
	[tilespmem:v28+s13+$0x0] =	vst.idx.add.f32.msk $0xffff, v31;
	v28 =	vperm.xlane v19, v15;
	v31 =	vshll.u32 v36, $0x3  }
0x160: {  	v36 =	vperm.xlane v35, v0;
	v34 =	vmul.f32 v39, v34;
	v38 =	vld.idx.msk [tilespmem:v33+s25+$0x0], $0xffff;
	v31 =	vor.u32 v10, v31  }
0x161: {  	v39 =	vperm.xlane v18, v17;
	v18 =	vmovc v20;
	v20 =	vmovc v23;
	v23 =	vmov v35;
	v33 =	vor.u32 v10, v41  }
0x162: {  	v30 =	vmul.f32 v36, v30;
	v28 =	vshll.u32 v28, $0x3;
	[tilespmem:v29+s13+$0x0] =	vst.idx.add.f32.msk $0xffff, v34;
	v29 =	vor.u32 v4, v24  }
0x163: {  	v34 =	vperm.xlane v21, v13;
	v36 =	vor.u32 v10, v28;
	v28 =	vmul.f32 v39, v32;
	v35 =	vld.idx.msk [tilespmem:v37+s25+$0x0], $0xffff  }
0x164: {  	v29 =	vor.u32 v10, v29;
	[tilespmem:v26+s13+$0x0] =	vst.idx.add.f32.msk $0xffff, v30;
	v30 =	vperm.xlane v18, v15;
	v26 =	vmov v27  }
0x165: {  	v32 =	vor.u32 v6, v22;
	v27 =	vshll.u32 v34, $0x3;
	[tilespmem:v31+s13+$0x0] =	vst.idx.add.f32.msk $0xffff, v28  }
.Ltmp7:
0x166: {  	v31 =	vperm.xlane v26, v11;
	v34 =	vld.idx.msk [tilespmem:v33+s25+$0x0], $0xffff;
	v33 =	vor.u32 v10, v27;
	v27 =	vmul.f32 v30, v38;
	(pc) =	sbr.rel @p1 .LBB2_13-.Ltmp7, $4  }
0x167: {  	v32 =	vor.u32 v10, v32;
	v28 =	vmov s28;
	v30 =	vperm.xlane v20, v13  }
0x168: {  	v37 =	vor.u32 v8, v25;
	v28 =	vshll.u32 v28, $0x3;
	v31 =	vshll.u32 v31, $0x3;
	[tilespmem:v36+s13+$0x0] =	vst.idx.add.f32.msk $0xffff, v27  }
0x169: {  	s1 =	sadd.s32 $0x10, s1;
	v36 =	vor.u32 v10, v31;
	v35 =	vmul.f32 v30, v35;
	v31 =	vperm.xlane v19, v16;
	v29 =	vld.idx.msk [tilespmem:v29+s25+$0x0], $0xffff  }
0x16a: {  	v37 =	vor.u32 v10, v37;
	s28 =	sadd.s32 $0x10, s28;
	v38 =	vperm.xlane v23, v11;
	v30 =	vor.u32 v1, v28;
	v27 =	vld [tilespmem:s1+$0x0]  }
0x16b: {  	v39 =	vor.u32 v10, v30;
	_ =	sdelay $0x1  }
0x16c: {  	s1 =	sadd.s32 $0x10, s3  }
0x16d: {  	v30 =	vld [tilespmem:s1+$0x0]  }
0x16e: {  	v40 =	vperm.xlane v27, v0  }
0x16f: {  	v39 =	vld.idx.msk [tilespmem:v39+s25+$0x0], $0xffff  }
0x170: {  	v40 =	vshll.u32 v40, $0x3  }
0x171: {  	v41 =	vor.u32 v9, v28;
	v40 =	vor.u32 v10, v40  }
0x172: {  	v41 =	vor.u32 v10, v41;
	v42 =	vperm.xlane v30, v0;
	_ =	sdelay $0x1  }
0x173: {  	v39 =	vmul.f32 v42, v39;
	_ =	sdelay $0x1  }
0x174: {  	v44 =	vperm.xlane v27, v11;
	[tilespmem:v40+s13+$0x0] =	vst.idx.add.f32.msk $0xffff, v39  }
0x175: {  	v40 =	vld.idx.msk [tilespmem:v41+s25+$0x0], $0xffff  }
0x176: {  	v39 =	vshll.u32 v44, $0x3  }
0x177: {  	v45 =	vor.u32 v8, v28;
	v39 =	vor.u32 v10, v39  }
0x178: {  	v34 =	vmul.f32 v38, v34;
	v38 =	vor.u32 v10, v45;
	v46 =	vperm.xlane v30, v11;
	_ =	sdelay $0x1  }
0x179: {  	v47 =	vperm.xlane v26, v12;
	[tilespmem:v36+s13+$0x0] =	vst.idx.add.f32.msk $0xffff, v34;
	v48 =	vmul.f32 v46, v40  }
0x17a: {  	v36 =	vld.idx.msk [tilespmem:v37+s25+$0x0], $0xffff  }
0x17b: {  	v34 =	vshll.u32 v47, $0x3;
	v50 =	vperm.xlane v27, v12;
	[tilespmem:v39+s13+$0x0] =	vst.idx.add.f32.msk $0xffff, v48  }
0x17c: {  	v49 =	vor.u32 v7, v25;
	v34 =	vor.u32 v10, v34;
	v38 =	vld.idx.msk [tilespmem:v38+s25+$0x0], $0xffff  }
0x17d: {  	v51 =	vperm.xlane v23, v12;
	v37 =	vshll.u32 v50, $0x3;
	v40 =	vor.u32 v10, v49  }
0x17e: {  	v52 =	vor.u32 v7, v28;
	v37 =	vor.u32 v10, v37  }
0x17f: {  	v53 =	vperm.xlane v30, v12;
	v36 =	vmul.f32 v51, v36;
	v39 =	vor.u32 v10, v52;
	_ =	sdelay $0x1  }
0x180: {  	v54 =	vperm.xlane v26, v13;
	[tilespmem:v34+s13+$0x0] =	vst.idx.add.f32.msk $0xffff, v36;
	v38 =	vmul.f32 v53, v38  }
0x181: {  	v36 =	vld.idx.msk [tilespmem:v40+s25+$0x0], $0xffff  }
0x182: {  	v57 =	vperm.xlane v27, v13;
	v34 =	vshll.u32 v54, $0x3;
	[tilespmem:v37+s13+$0x0] =	vst.idx.add.f32.msk $0xffff, v38  }
0x183: {  	v56 =	vor.u32 v6, v25;
	v34 =	vor.u32 v10, v34;
	v39 =	vld.idx.msk [tilespmem:v39+s25+$0x0], $0xffff  }
0x184: {  	[tilespmem:v33+s13+$0x0] =	vst.idx.add.f32.msk $0xffff, v35;
	v58 =	vperm.xlane v23, v13;
	v35 =	vor.u32 v10, v56;
	v37 =	vshll.u32 v57, $0x3  }
0x185: {  	v55 =	vperm.xlane v21, v14;
	v60 =	vor.u32 v6, v28;
	v37 =	vor.u32 v10, v37  }
0x186: {  	v32 =	vld.idx.msk [tilespmem:v32+s25+$0x0], $0xffff;
	v61 =	vperm.xlane v30, v13;
	v36 =	vmul.f32 v58, v36;
	v38 =	vor.u32 v10, v60  }
0x187: {  	v59 =	vor.u32 v5, v22;
	v63 =	vperm.xlane v26, v14;
	v33 =	vshll.u32 v55, $0x3  }
0x188: {  	v33 =	vor.u32 v10, v33;
	[tilespmem:v34+s13+$0x0] =	vst.idx.add.f32.msk $0xffff, v36;
	v39 =	vmul.f32 v61, v39  }
0x189: {  	v62 =	vperm.xlane v20, v14;
	v24 =	vor.u32 v3, v24;
	v45 =	vor.u32 v5, v25;
	v35 =	vld.idx.msk [tilespmem:v35+s25+$0x0], $0xffff  }
0x18a: {  	v43 =	vshll.u32 v63, $0x3;
	v44 =	vperm.xlane v27, v14;
	v40 =	vor.u32 v10, v59;
	[tilespmem:v37+s13+$0x0] =	vst.idx.add.f32.msk $0xffff, v39  }
0x18b: {  	v47 =	vperm.xlane v21, v15;
	v32 =	vmul.f32 v62, v32;
	v34 =	vor.u32 v10, v43;
	v38 =	vld.idx.msk [tilespmem:v38+s25+$0x0], $0xffff  }
0x18c: {  	v46 =	vperm.xlane v23, v14;
	v48 =	vor.u32 v10, v45;
	v36 =	vshll.u32 v44, $0x3  }
0x18d: {  	v31 =	vshll.u32 v31, $0x3;
	v50 =	vor.u32 v5, v28;
	[tilespmem:v33+s13+$0x0] =	vst.idx.add.f32.msk $0xffff, v32;
	v36 =	vor.u32 v10, v36  }
0x18e: {  	v51 =	vperm.xlane v30, v14;
	v35 =	vmul.f32 v46, v35;
	v39 =	vor.u32 v10, v50  }
0x18f: {  	v31 =	vor.u32 v10, v31;
	v24 =	vor.u32 v10, v24;
	v56 =	vperm.xlane v27, v15;
	v49 =	vld.idx.msk [tilespmem:v40+s25+$0x0], $0xffff  }
0x190: {  	v32 =	vshll.u32 v47, $0x3;
	v54 =	vperm.xlane v26, v15;
	[tilespmem:v34+s13+$0x0] =	vst.idx.add.f32.msk $0xffff, v35;
	v38 =	vmul.f32 v51, v38  }
0x191: {  	v63 =	vperm.xlane v30, v15;
	v32 =	vor.u32 v10, v32;
	v52 =	vor.u32 v4, v22;
	v33 =	vld.idx.msk [tilespmem:v48+s25+$0x0], $0xffff  }
0x192: {  	v55 =	vor.u32 v10, v52;
	v53 =	vperm.xlane v20, v15;
	v35 =	vshll.u32 v54, $0x3;
	[tilespmem:v36+s13+$0x0] =	vst.idx.add.f32.msk $0xffff, v38  }
0x193: {  	v59 =	vperm.xlane v23, v15;
	v58 =	vor.u32 v4, v25;
	v35 =	vor.u32 v10, v35;
	v39 =	vld.idx.msk [tilespmem:v39+s25+$0x0], $0xffff  }
0x194: {  	v34 =	vmul.f32 v53, v49;
	v38 =	vor.u32 v10, v58;
	v36 =	vshll.u32 v56, $0x3  }
0x195: {  	v57 =	vperm.xlane v21, v16;
	v61 =	vor.u32 v4, v28;
	v36 =	vor.u32 v10, v36  }
0x196: {  	[tilespmem:v32+s13+$0x0] =	vst.idx.add.f32.msk $0xffff, v34;
	v34 =	vor.u32 v10, v61;
	v33 =	vmul.f32 v59, v33  }
0x197: {  	v47 =	vor.u32 v3, v22;
	v45 =	vperm.xlane v26, v16;
	v44 =	vperm.xlane v18, v16;
	v62 =	vld.idx.msk [tilespmem:v55+s25+$0x0], $0xffff  }
0x198: {  	v22 =	vor.u32 v10, v47;
	v60 =	vshll.u32 v57, $0x3;
	[tilespmem:v35+s13+$0x0] =	vst.idx.add.f32.msk $0xffff, v33;
	v46 =	vmul.f32 v63, v39  }
0x199: {  	v52 =	vperm.xlane v23, v16;
	v29 =	vmul.f32 v44, v29;
	v32 =	vor.u32 v10, v60;
	v38 =	vld.idx.msk [tilespmem:v38+s25+$0x0], $0xffff  }
0x19a: {  	v49 =	vperm.xlane v27, v16;
	v48 =	vperm.xlane v20, v16;
	v33 =	vshll.u32 v45, $0x3;
	[tilespmem:v36+s13+$0x0] =	vst.idx.add.f32.msk $0xffff, v46  }
0x19b: {  	v54 =	vor.u32 v3, v28;
	v51 =	vor.u32 v3, v25;
	v33 =	vor.u32 v10, v33;
	v34 =	vld.idx.msk [tilespmem:v34+s25+$0x0], $0xffff  }
0x19c: {  	[tilespmem:v31+s13+$0x0] =	vst.idx.add.f32.msk $0xffff, v29;
	v53 =	vshll.u32 v49, $0x3;
	v25 =	vor.u32 v10, v51;
	v50 =	vmul.f32 v48, v62  }
0x19d: {  	v24 =	vld.idx.msk [tilespmem:v24+s25+$0x0], $0xffff;
	v28 =	vor.u32 v10, v54;
	v31 =	vor.u32 v10, v53  }
0x19e: {  	v55 =	vperm.xlane v30, v16;
	[tilespmem:v32+s13+$0x0] =	vst.idx.add.f32.msk $0xffff, v50;
	v29 =	vmul.f32 v52, v38  }
0x19f: {  	v19 =	vperm.xlane v19, v17;
	v22 =	vld.idx.msk [tilespmem:v22+s25+$0x0], $0xffff  }
0x1a0: {  	v56 =	vperm.xlane v21, v17;
	[tilespmem:v33+s13+$0x0] =	vst.idx.add.f32.msk $0xffff, v29;
	v57 =	vmul.f32 v55, v34  }
0x1a1: {  	v19 =	vshll.u32 v19, $0x3;
	v58 =	vperm.xlane v26, v17;
	v25 =	vld.idx.msk [tilespmem:v25+s25+$0x0], $0xffff  }
0x1a2: {  	v19 =	vor.u32 v10, v19;
	v59 =	vperm.xlane v27, v17;
	v21 =	vshll.u32 v56, $0x3;
	[tilespmem:v31+s13+$0x0] =	vst.idx.add.f32.msk $0xffff, v57  }
0x1a3: {  	v18 =	vperm.xlane v18, v17;
	v26 =	vshll.u32 v58, $0x3;
	v21 =	vor.u32 v10, v21;
	v28 =	vld.idx.msk [tilespmem:v28+s25+$0x0], $0xffff  }
0x1a4: {  	v60 =	vperm.xlane v20, v17;
	v27 =	vshll.u32 v59, $0x3;
	v26 =	vor.u32 v10, v26  }
0x1a5: {  	v18 =	vmul.f32 v18, v24;
	v61 =	vperm.xlane v23, v17;
	v62 =	vor.u32 v10, v27  }
.Ltmp8:
0x1a6: {  	v63 =	vperm.xlane v30, v17;
	v20 =	vmul.f32 v60, v22;
	(pc) =	sbr.rel @p0 .LBB2_16-.Ltmp8, $4  }
0x1a7: {  	[tilespmem:v19+s13+$0x0] =	vst.idx.add.f32.msk $0xffff, v18;
	v18 =	vmul.f32 v61, v25  }
0x1a8: {  	[tilespmem:v21+s13+$0x0] =	vst.idx.add.f32.msk $0xffff, v20;
	v19 =	vmul.f32 v63, v28  }
0x1a9: {  	[tilespmem:v26+s13+$0x0] =	vst.idx.add.f32.msk $0xffff, v18  }
0x1aa: {  	[tilespmem:v62+s13+$0x0] =	vst.idx.add.f32.msk $0xffff, v19  }
0x1ab: {  	s1 =	smul.u32 $0xC00, s0;
	_ =	sdelay $0x1  }
0x1ac: {  	s1 =	sshrl.u32 s1, $0x3  }
0x1ad: {  	s1 =	sadd.s32 $0x240, s1  }
0x1ae: {  	s3 =	sadd.s32 s5, s1  }
0x1af: {  	[tilespmem:s16], [sflag:$0x2] =	stream.linear.gather [hbm4b:s3+s2], $0x600, $0x38;
	[tilespmem:$0x1D000] =	vst v63  }
.Ltmp9:
0x1b0: {  	_ = 	snop;
	(pc) =	sbr.rel .LBB2_4-.Ltmp9, $4  }
0x1b1: {  	s28 =	sadd.s32 s6, s1  }
0x1b2: {  	[tilespmem:s17], [sflag:$0x2] =	stream.linear.gather [hbm4b:s28+s2], $0x600, $0x38;
	[tilespmem:$0x1D000] =	vst v63  }
0x1b3: {  	s0 =	sadd.s32 $0x1, s0;
	s1 =	sadd.s32 s7, s1  }
0x1b4: {  	[tilespmem:s18], [sflag:$0x2] =	stream.linear.gather [hbm4b:s1+s2], $0x600, $0x38;
	[tilespmem:$0x1D000] =	vst v63  }
.LBB2_17:
0x1b5: {  	_ =	sfence.sel $0x180000  }
0x1b6: {  	[bflag:$0x0] =	sbarrier.arrive $0xFFFF  }
0x1b7: {  	_ =	strace $0x9000004A  }
0x1b8: {  	s0 =	stileid.u32;
	[bflag:$0x2] =	sbarrier.arrive $0xFFFF  }
0x1b9: {  	p0 =	sne.s32 s0, $0x0;
	s0 =	rddreg [dreg:$0x2]  }
0x1ba: {  	s0 =	sadd.s32 @!p0 $0x100000, s0  }
0x1bb: {  	[sflag:s0] =	ssyncadd.tile.s32 @!p0 $0x1;
	_ =	shalt  }
.Lfunc_end2:
_tile_overlayer_lowered:
.L_overlay_start_2:
0x1bc: {  	(tag) =	ssettag $0x2  }
0x1bd: {  	s0 =	rddreg [dreg:$0x0];
	s2 =	stileid.u32  }
0x1be: {  	s1 =	rddreg [dreg:$0x1];
	p0 =	sne.s32 s2, $0x0  }
0x1bf: {  	s3 =	rddreg [dreg:$0x2];
	[bflag:$0x3] =	sbarrier.arrive $0xFFFF;
	s2 =	simm.s32 @!p0 $0x1C05  }
0x1c0: {  	[timem:s3], [sflag:s2] =	dma.local @!p0 [hbm:s0], s1  }
0x1c1: {  	s0 =	simm.s32 @!p0 $0x5  }
0x1c2: {  	_ =	swait.ge @!p0 [sflag:s0], s1  }
0x1c3: {  	s1 =	ssub.s32 @!p0 $0x0, s1;
	[sflag:s0] =	ssyncset.done @!p0 $0x0  }
0x1c4: {  	[sflag:s0] =	ssyncadd.s32 @!p0 s1  }
0x1c5: {  	[bflag:$0x3] =	sbarrier.arrive $0xFFFF  }
0x1c6: {  	_ =	shalt  }

// kernel: _impl.7.cloned.1.call-start
scs
__scs_entry_jumppad:
0x0: {  	(pc) =	sbr.rel $0x88, $3  }
0x1: {  	(tag) =	ssettag $0x0;
	lr =	simm.s32 $0x1  }
0x2: {  	[smem:$0x3F9C] =	sst lr;
	_ =	strace $0xD0000000  }
0x3: {  	_ = 	snop  }
0x4: {  	_ = 	snop  }
0x5: {  	_ = 	snop  }
0x6: {  	_ = 	snop  }
0x7: {  	_ = 	snop  }
__scs_overlays_trampoline_lowered:
0x8: {  	[smem:$0x3FAB] =	sst s0  }
0x9: {  	[smem:$0x3FAC] =	sst s1  }
0xa: {  	[smem:$0x3FAD] =	sst s2  }
0xb: {  	[smem:$0x3FAE] =	sst s3  }
0xc: {  	[smem:$0x3FAF] =	sst s4  }
0xd: {  	[smem:$0x3FB0] =	sst s5  }
0xe: {  	[smem:$0x3FB1] =	sst s6  }
0xf: {  	[smem:$0x3FB2] =	sst s7  }
0x10: {  	[smem:$0x3FB3] =	sst s8  }
0x11: {  	[smem:$0x3FB4] =	sst s9;
	s0 =	simm.s32 @!p0 $0x0  }
0x12: {  	s1 =	sld [smem:$0x3F9A];
	s0 =	simm.s32 @p0 $0x1  }
0x13: {  	[smem:$0x3FB5] =	sst s0;
	s0 =	simm.s32 @!p1 $0x0  }
0x14: {  	s2 =	sld [smem:$0x3F99];
	s0 =	simm.s32 @p1 $0x1  }
0x15: {  	[smem:$0x3FB6] =	sst s0;
	s0 =	simm.s32 @!p2 $0x0  }
0x16: {  	s3 =	sld [smem:$0x3FDB];
	s0 =	simm.s32 @p2 $0x1  }
0x17: {  	s4 =	simm.s32 $0x1BF5;
	[smem:$0x3FB8] =	sst s0  }
0x18: {  	s0 =	sld [smem:$0x3F9B];
	_ =	swait.ge [sflag:s4], $0x0  }
0x19: {  	s7 =	sld [smem:$0x3F9C]  }
0x1a: {  	s8 =	sadd.s32 $0xFFFFE003, lr  }
0x1b: {  	s9 =	sadd.s32 $0xFFFFFEF7, lr;
	s5 =	simm.s32 $0xFFFFFFFF;
	p2 =	slt.u32 s8, $0xFFFFF086  }
0x1c: {  	p1 =	slt.u32 s9, $0xF7A;
	s5 =	simm.s32 @!p2 $0x0  }
0x1d: {  	s5 =	simm.s32 @p1 $0x1;
	p0 =	seq.s32 s7, s2  }
0x1e: {  	s7 =	smul.u32 @!p0 $0xF7A, s2;
	p2 =	seq.s32 @!p0 s5, $0x0  }
0x1f: {  	s9 =	smul.u32 $0xF7A, s1;
	s8 =	simm.s32 @!p0 $0x1BF5;
	p2 =	por !p2, p0  }
0x20: {  	[sflag:s8] =	ssyncset.s32 @!p0 $0xFFFFF086;
	s6 =	sadd.s32 @!p0 s3, s7;
	s7 =	simm.s32 @!p0 $0x108  }
0x21: {  	s3 =	sadd.s32 s3, s9;
	s6 =	sadd.s32 @!p0 $0x88, s6;
	s7 =	simm.s32 @p2 $0x1082  }
0x22: {  	[simem:s7], [sflag:s8] =	dma.local @!p0 [hbm:s6], $0xF7A  }
0x23: {  	s9 =	sor.u32 $0xD0000000, s2;
	s6 =	simm.s32 $0x108;
	_ =	swait.ge @!p0 [sflag:s8], $0x0  }
0x24: {  	s3 =	sadd.s32 $0x88, s3;
	s6 =	simm.s32 @!p1 $0x1082;
	[sflag:s4] =	ssyncset.s32 $0xFFFFF086  }
0x25: {  	[simem:s6], [sflag:s4] =	dma.local [hbm:s3], $0xF7A  }
0x26: {  	[smem:$0x3F9C] =	sst s1;
	(tag) =	ssettag s2;
	_ =	strace s9  }
0x27: {  	s1 =	sld [smem:$0x3FAC]  }
0x28: {  	s2 =	sld [smem:$0x3FAD]  }
0x29: {  	s4 =	sld [smem:$0x3FAF]  }
0x2a: {  	p0 =	seq.s32 s5, $0x0;
	s5 =	sld [smem:$0x3FB0]  }
0x2b: {  	s6 =	sld [smem:$0x3FB1]  }
0x2c: {  	s7 =	sld [smem:$0x3FB2]  }
0x2d: {  	s3 =	simm.s32 $0x108;
	s8 =	sld [smem:$0x3FB3]  }
0x2e: {  	s3 =	simm.s32 @!p0 $0x1082;
	s9 =	sld [smem:$0x3FB4]  }
0x2f: {  	lr =	sadd.s32 s0, s3;
	s0 =	sld [smem:$0x3FAB]  }
0x30: {  	s3 =	sld [smem:$0x3FAE]  }
0x31: {  	[smem:$0x3FB7] =	sst s10  }
0x32: {  	s10 =	sld [smem:$0x3FB5];
	_ =	sdelay $0x3  }
0x33: {  	p0 =	seq.s32 s10, $0x1;
	s10 =	sld [smem:$0x3FB7];
	_ =	sdelay $0x3  }
0x34: {  	[smem:$0x3FB7] =	sst s10  }
0x35: {  	s10 =	sld [smem:$0x3FB6];
	_ =	sdelay $0x3  }
0x36: {  	p1 =	seq.s32 s10, $0x1;
	s10 =	sld [smem:$0x3FB7];
	_ =	sdelay $0x3  }
0x37: {  	[smem:$0x3FB7] =	sst s10  }
0x38: {  	s10 =	sld [smem:$0x3FB8]  }
0x39: {  	_ = 	snop;
	(pc) =	sbr.ind lr, $3  }
0x3a: {  	_ = 	snop  }
0x3b: {  	_ = 	snop  }
0x3c: {  	p2 =	seq.s32 s10, $0x1;
	s10 =	sld [smem:$0x3FB7]  }
0x3d: {  	_ =	shalt  }
0x3e: {  	_ =	shalt  }
0x3f: {  	_ =	shalt  }
0x40: {  	_ =	shalt  }
0x41: {  	_ =	shalt  }
0x42: {  	_ =	shalt  }
0x43: {  	_ =	shalt  }
0x44: {  	_ =	shalt  }
0x45: {  	_ =	shalt  }
0x46: {  	_ =	shalt  }
0x47: {  	_ =	shalt  }
0x48: {  	_ =	shalt  }
0x49: {  	_ =	shalt  }
0x4a: {  	_ =	shalt  }
0x4b: {  	_ =	shalt  }
0x4c: {  	_ =	shalt  }
0x4d: {  	_ =	shalt  }
0x4e: {  	_ =	shalt  }
0x4f: {  	_ =	shalt  }
0x50: {  	_ =	shalt  }
0x51: {  	_ =	shalt  }
0x52: {  	_ =	shalt  }
0x53: {  	_ =	shalt  }
0x54: {  	_ =	shalt  }
0x55: {  	_ =	shalt  }
0x56: {  	_ =	shalt  }
0x57: {  	_ =	shalt  }
0x58: {  	_ =	shalt  }
0x59: {  	_ =	shalt  }
0x5a: {  	_ =	shalt  }
0x5b: {  	_ =	shalt  }
0x5c: {  	_ =	shalt  }
0x5d: {  	_ =	shalt  }
0x5e: {  	_ =	shalt  }
0x5f: {  	_ =	shalt  }
0x60: {  	_ =	shalt  }
0x61: {  	_ =	shalt  }
0x62: {  	_ =	shalt  }
0x63: {  	_ =	shalt  }
0x64: {  	_ =	shalt  }
0x65: {  	_ =	shalt  }
0x66: {  	_ =	shalt  }
0x67: {  	_ =	shalt  }
0x68: {  	_ =	shalt  }
0x69: {  	_ =	shalt  }
0x6a: {  	_ =	shalt  }
0x6b: {  	_ =	shalt  }
0x6c: {  	_ =	shalt  }
0x6d: {  	_ =	shalt  }
0x6e: {  	_ =	shalt  }
0x6f: {  	_ =	shalt  }
0x70: {  	_ =	shalt  }
0x71: {  	_ =	shalt  }
0x72: {  	_ =	shalt  }
0x73: {  	_ =	shalt  }
0x74: {  	_ =	shalt  }
0x75: {  	_ =	shalt  }
0x76: {  	_ =	shalt  }
0x77: {  	_ =	shalt  }
0x78: {  	_ =	shalt  }
0x79: {  	_ =	shalt  }
0x7a: {  	_ =	shalt  }
0x7b: {  	_ =	shalt  }
0x7c: {  	_ =	shalt  }
0x7d: {  	_ =	shalt  }
0x7e: {  	_ =	shalt  }
0x7f: {  	_ =	shalt  }
0x80: {  	_ =	shalt  }
0x81: {  	_ =	shalt  }
0x82: {  	_ =	shalt  }
0x83: {  	_ =	shalt  }
0x84: {  	_ =	shalt  }
0x85: {  	_ =	shalt  }
0x86: {  	_ =	shalt  }
0x87: {  	_ =	shalt  }
.Lfunc_end0:
.L_simem_size_0:
called_computation_lowered:
.L_overlay_start_0:
0x88: {  	s2 =	sld [smem:$0x3FD9]  }
0x89: {  	s3 =	sld [smem:$0x3FFE];
	_ =	sdelay $0x1  }
0x8a: {  	s1 =	srdreg.scid  }
0x8b: {  	s0 =	sand.u32 $0x1, s1  }
0x8c: {  	s17 =	sshll.u32 s0, $0xA;
	s2 =	sadd.s32 s3, s2  }
0x8d: {  	s2 =	sadd.s32 s2, s17  }
0x8e: {  	[smem:$0x3FC3] =	sst s2  }
0x8f: {  	_ = 	snop  }
0x90: {  	s2 =	sld [smem:$0x3FD0];
	(tm) =	ssettm $0x1  }
0x91: {  	s18 =	sld [smem:$0x3FFB];
	_ =	sdelay $0x3  }
0x92: {  	_ =	strace s18  }
0x93: {  	s3 =	sld [smem:$0x3FFC];
	_ =	sdelay $0x3  }
0x94: {  	_ =	strace s3  }
0x95: {  	s3 =	sld [smem:$0x3FFD];
	_ =	sdelay $0x3  }
0x96: {  	_ =	strace s3  }
0x97: {  	_ =	strace $0x8FFFFFFF  }
0x98: {  	s19 =	sld [smem:$0x3FDB];
	_ =	sdelay $0x1  }
0x99: {  	s4 =	simm.s32 $_scs_section_size  }
0x9a: {  	s5 =	simm.s32 $_size__tile_overlayer_lowered;
	s6 =	simm.s32 $_tile_overlayer_lowered  }
0x9b: {  	s22 =	simm.s32 $0x1BFF;
	s21 =	sshll.u32 s6, $0x1;
	s3 =	sadd.s32 s4, s19  }
0x9c: {  	s7 =	simm.s32 $0x0;
	s20 =	sshll.u32 s5, $0x1;
	s5 =	sadd.s32 s21, s3  }
0x9d: {  	[timem:s7], [sflag:s22] =	dma.local [hbm:s5], s20  }
0x9e: {  	_ =	swait.ge [sflag:s22], s20  }
0x9f: {  	s4 =	ssub.s32 $0x0, s20;
	[sflag:s22] =	ssyncset.done $0x0  }
0xa0: {  	[sflag:s22] =	ssyncadd.s32 s4;
	_ =	sdelay $0x1  }
0xa1: {  	s23 =	simm.s32 $0x1B8B  }
0xa2: {  	_ =	swait.ge [sflag:s23], $0x1  }
0xa3: {  	[sflag:s23] =	ssyncset.done $0x0  }
0xa4: {  	s25 =	simm.s32 $0x1B8E;
	s24 =	sld [smem:$0x3FFE];
	[sflag:s23] =	ssyncadd.s32 $0xFFFFFFFF  }
0xa5: {  	s26 =	simm.s32 $execute0_lowered;
	[smem:$0x3FD2] =	sst s25  }
0xa6: {  	s5 =	sshll.u32 s26, $0x1;
	_ =	strace $0x80000046;
	[dreg:$0x1] =	wrdreg $0xFFFFFFFF  }
0xa7: {  	s28 =	simm.s32 $_size_execute0_lowered;
	s3 =	sadd.s32 s3, s5;
	[dreg:$0x0] =	wrdreg $0x0  }
0xa8: {  	s5 =	sshll.u32 s28, $0x1;
	[dreg:$0x2] =	wrdreg s3  }
0xa9: {  	[dreg:$0x3] =	wrdreg s5  }
0xaa: {  	[dreg:$0x4] =	wrdreg $0xC0  }
0xab: {  	_ =	task [dreg:s7], $0x5FFFF  }
0xac: {  	[dreg:$0x1] =	wrdreg $0xFFFFFFFF  }
0xad: {  	[dreg:$0x0] =	wrdreg $0x60  }
0xae: {  	[dreg:$0x2] =	wrdreg s24  }
0xaf: {  	[dreg:$0x3] =	wrdreg s2  }
0xb0: {  	[dreg:$0x4] =	wrdreg $0x9  }
0xb1: {  	_ =	task.clear_ibuf [dreg:s7], $0x5FFFF;
	_ =	strace $0x90000046  }
0xb2: {  	s29 =	simm.s32 $0x9;
	_ =	strace $0x80000048  }
0xb3: {  	_ =	swait.ge [sflag:s29], $0x1  }
0xb4: {  	[sflag:s29] =	ssyncadd.s32 $0xFFFFFFFF  }
0xb5: {  	_ =	strace $0x90000048  }
0xb6: {  	_ =	sfence  }
0xb7: {  	s30 =	sld [smem:$0x0];
	_ =	sdelay $0x2  }
0xb8: {  	s31 =	sshll.u32 s1, $0xD;
	s1 =	sshrl.u32 s1, $0x2  }
0xb9: {  	s3 =	sand.u32 $0x4000, s31;
	s1 =	sadd.s32 s1, s30  }
0xba: {  	s0 =	sor.u32 s3, s0;
	s1 =	sshll.u32 s1, $0x11  }
0xbb: {  	s0 =	sor.u32 s1, s0  }
0xbc: {  	s0 =	sadd.s32 $0x8F2B, s0  }
0xbd: {  	[sflag:s0] =	ssyncadd.remote.s32 $0x1  }
0xbe: {  	_ =	sfence.sel $0xFFFF  }
0xbf: {  	[dreg:$0x0] =	wrdreg $0xFFFFFFFF;
	(pc) =	sbr.abs _section_cstart, $3  }
0xc0: {  	[dreg:$0x1] =	wrdreg $0xFFFFFFFF  }
0xc1: {  	_ =	task.clear_ibuf [dreg:s7], $0x2FFFF;
	_ =	strace $0x9FFFFFFF  }
0xc2: {  	(tm) =	ssettm $0x7FFFFFFF  }
0xc3: {  	_ =	shalt  }
tec
execute0_lowered:
.L_overlay_start_1:
0x0: {  	(tag) =	ssettag $0x1  }
0x1: {  	s3 =	rddreg [dreg:$0x0];
	s1 =	srdreg.scid  }
0x2: {  	s0 =	stileid.u32;
	s5 =	rddreg [dreg:$0x1];
	s9 =	simm.s32 $0x2900  }
0x3: {  	s10 =	simm.s32 $0x80;
	s11 =	simm.s32 $0x400;
	s12 =	simm.s32 $0x0  }
0x4: {  	s4 =	sand.u32 $0x1, s1;
	s2 =	sshll.u32 s0, $0x1;
	s8 =	sshrl.u32 s0, $0x2  }
0x5: {  	s1 =	rddreg [dreg:$0x2];
	s6 =	sor.u32 s4, s2;
	s8 =	smul.u32 $0x14000, s8  }
0x6: {  	s2 =	simm.s32 $0x0;
	s4 =	ssub.s32 $0x2, s4;
	s7 =	smul.u32 $0x288, s6  }
0x7: {  	[smem:$0x7FF] =	sst s2;
	s6 =	sshll.u32 s6, $0x7;
	s30 =	sshrl.u32 s4, $0x1  }
0x8: {  	_ =	strace $0x80000047;
	s6 =	sand.u32 $0x380, s6;
	s31 =	ssub.s32 s4, s30  }
0x9: {  	s7 =	sadd.s32 s7, s3;
	s6 =	sor.u32 s8, s6;
	s8 =	simm.s32 $0x1480  }
0xa: {  	s3 =	sadd.s32 $0x5C00, s7;
	s6 =	sshrl.u32 s6, $0x3;
	s4 =	sadd.s32 $0xA00, s7  }
0xb: {  	v0 =	vimm.f32 $0.0e+00;
	s7 =	simm.s32 $0x1;
	s5 =	sadd.s32 s5, s6;
	s6 =	smax.u32 s31, $0x1  }
.LBB2_1:
0xc: {  	[tilespmem:s2], [sflag:$0x1] =	stream.linear.gather [hbm4b:s3+s2], $0x1440, $0x38;
	[tilespmem:$0x5100] =	vst v63  }
0xd: {  	_ =	swait.ge [sflag:s7], $0x1440  }
0xe: {  	[sflag:s7] =	ssyncset.done $0x0  }
0xf: {  	[sflag:s7] =	ssyncadd.s32 $0xFFFFEBC0  }
0x10: {  	[tilespmem:s8], [sflag:$0x1] =	stream.linear.gather [hbm4b:s4+s2], $0x1440, $0x38;
	[tilespmem:$0x5100] =	vst v63  }
0x11: {  	_ =	swait.ge [sflag:s7], $0x1440  }
0x12: {  	[sflag:s7] =	ssyncset.done $0x0  }
0x13: {  	s15 =	simm.s32 $0x2920;
	[sflag:s7] =	ssyncadd.s32 $0xFFFFEBC0  }
0x14: {  	[tilespmem:s15+$0xFFFFFFE0] =	vst v0  }
0x15: {  	[tilespmem:s15+$0x10] =	vst v0  }
0x16: {  	s16 =	simm.s32 $0x0;
	s14 =	simm.s32 $0x20;
	[tilespmem:s15+$0x0] =	vst v0  }
.LBB2_2:
0x17: {  	s16 =	sadd.s32 $0x4, s16  }
0x18: {  	[tilespmem:s15+$0xFFFFFFF0] =	vst v0;
	s15 =	sadd.s32 $0x40, s15;
	s13 =	simm.s32 $0x14A0;
	p0 =	slt.u32 s16, $0x27C  }
.Ltmp0:
0x19: {  	[tilespmem:s15+$0xFFFFFFE0] =	vst v0;
	(pc) =	sbr.rel @p0 .LBB2_2-.Ltmp0, $3  }
0x1a: {  	_ =	sdelay $0x1  }
0x1b: {  	[tilespmem:s15+$0x10] =	vst v0  }
0x1c: {  	[tilespmem:s15+$0x0] =	vst v0  }
0x1d: {  	[tilespmem:s15+$0xFFFFFFF0] =	vst v0  }
0x1e: {  	v5 =	vld [tilespmem:s14+$0x10]  }
0x1f: {  	v6 =	vld [tilespmem:s14+$0xFFFFFFF0]  }
0x20: {  	v1 =	vld [tilespmem:s14+$0x0]  }
0x21: {  	v7 =	vld [tilespmem:s13+$0x10]  }
0x22: {  	v8 =	vld [tilespmem:s13+$0xFFFFFFF0]  }
0x23: {  	v4 =	vld [tilespmem:s13+$0x0]  }
0x24: {  	v2 =	vld [tilespmem:s14+$0xFFFFFFE0]  }
0x25: {  	v3 =	vld [tilespmem:s13+$0xFFFFFFE0]  }
0x26: {  	[tilespmem:v5+s9+$0x0] =	vst.idx.add.f32.msk $0xffff, v7  }
0x27: {  	s15 =	simm.s32 $0x60;
	s14 =	simm.s32 $0x0;
	[tilespmem:v6+s9+$0x0] =	vst.idx.add.f32.msk $0xffff, v8  }
.LBB2_4:
0x28: {  	v5 =	vld [tilespmem:s15+$0x10];
	s14 =	sadd.s32 $0x4, s14;
	v6 =	vmov v4  }
0x29: {  	v7 =	vld [tilespmem:s15+$0xFFFFFFF0];
	p0 =	slt.u32 s14, $0x140  }
0x2a: {  	s13 =	sadd.s32 $0x40, s13;
	v8 =	vld [tilespmem:s15+$0x0]  }
0x2b: {  	v9 =	vld [tilespmem:s13+$0x10]  }
0x2c: {  	v10 =	vld [tilespmem:s15+$0xFFFFFFE0]  }
0x2d: {  	v11 =	vld [tilespmem:s13+$0xFFFFFFE0]  }
0x2e: {  	v12 =	vld [tilespmem:s13+$0xFFFFFFF0]  }
.Ltmp1:
0x2f: {  	v4 =	vld [tilespmem:s13+$0x0];
	(pc) =	sbr.rel @p0 .LBB2_4-.Ltmp1, $4  }
0x30: {  	[tilespmem:v5+s9+$0x0] =	vst.idx.add.f32.msk $0xffff, v9  }
0x31: {  	[tilespmem:v2+s9+$0x0] =	vst.idx.add.f32.msk $0xffff, v3;
	v2 =	vmov v10  }
0x32: {  	[tilespmem:v1+s9+$0x0] =	vst.idx.add.f32.msk $0xffff, v6;
	v1 =	vmov v8;
	v3 =	vmov v11  }
0x33: {  	s15 =	sadd.s32 $0x40, s15;
	[tilespmem:v7+s9+$0x0] =	vst.idx.add.f32.msk $0xffff, v12  }
0x34: {  	_ =	sdelay $0x2  }
0x35: {  	s12 =	sadd.s32 $0x1, s12  }
0x36: {  	[tilespmem:v2+s9+$0x0] =	vst.idx.add.f32.msk $0xffff, v3;
	p0 =	sne.s32 s12, s6  }
.Ltmp2:
0x37: {  	[tilespmem:v1+s9+$0x0] =	vst.idx.add.f32.msk $0xffff, v4;
	(pc) =	sbr.rel @p0 .LBB2_1-.Ltmp2, $4  }
0x38: {  	[hbm4b:s5+s10] =	stream.strided.scatter [tilespmem:s9], [sflag:$0x1], $0x2800, s11, s10, $0x38;
	[tilespmem:$0x5100] =	vst v63  }
0x39: {  	_ =	swait.ge [sflag:s7], $0x2800  }
0x3a: {  	[sflag:s7] =	ssyncset.done $0x0  }
0x3b: {  	[sflag:s7] =	ssyncadd.s32 $0xFFFFD800  }
0x3c: {  	_ =	sfence.sel $0x180000  }
0x3d: {  	[bflag:$0x0] =	sbarrier.arrive $0xFFFF  }
0x3e: {  	p0 =	sne.s32 s0, $0x0;
	_ =	strace $0x90000047  }
0x3f: {  	s0 =	sadd.s32 @!p0 $0x100000, s1;
	[bflag:$0x2] =	sbarrier.arrive $0xFFFF  }
0x40: {  	[sflag:s0] =	ssyncadd.tile.s32 @!p0 $0x1;
	_ =	shalt  }
.Lfunc_end2:
_tile_overlayer_lowered:
.L_overlay_start_2:
0x41: {  	(tag) =	ssettag $0x2  }
0x42: {  	s0 =	rddreg [dreg:$0x0];
	s2 =	stileid.u32  }
0x43: {  	s1 =	rddreg [dreg:$0x1];
	p0 =	sne.s32 s2, $0x0  }
0x44: {  	s3 =	rddreg [dreg:$0x2];
	[bflag:$0x3] =	sbarrier.arrive $0xFFFF;
	s2 =	simm.s32 @!p0 $0x1C01  }
0x45: {  	[timem:s3], [sflag:s2] =	dma.local @!p0 [hbm:s0], s1  }
0x46: {  	s0 =	simm.s32 @!p0 $0x1  }
0x47: {  	_ =	swait.ge @!p0 [sflag:s0], s1  }
0x48: {  	s1 =	ssub.s32 @!p0 $0x0, s1;
	[sflag:s0] =	ssyncset.done @!p0 $0x0  }
0x49: {  	[sflag:s0] =	ssyncadd.s32 @!p0 s1  }
0x4a: {  	[bflag:$0x3] =	sbarrier.arrive $0xFFFF  }
0x4b: {  	_ =	shalt  }

</sc_bundles>
